<compile_context>
chip_gen: v7x
topology: tpu7x:2x2x1
jax: 0.10.2.dev20260603
libtpu: 0.0.44.dev20260713+nightly
codegen_flags: <defaults>
</compile_context>

<pallas_src>
import functools

import jax
import jax.numpy as jnp
from jax import lax
from jax.experimental import pallas as pl
from jax.experimental.pallas import tpu as pltpu
from jax.experimental.pallas import tpu_sc as plsc

F32 = jnp.float32


def _cdiv(a, b):
    return (a + b - 1) // b


def _build_gather(N, D, En, NPAD, NW, mesh):
    CG = 512
    G = En // CG
    KMAX = _cdiv(G, NW)
    NC = 2

    @functools.partial(
        pl.kernel,
        out_type=(
            jax.ShapeDtypeStruct((En, D), jnp.int32),
            jax.ShapeDtypeStruct((En, D), jnp.int32),
            jax.ShapeDtypeStruct((NW, NPAD), F32),
            jax.ShapeDtypeStruct((NW, NPAD), F32),
        ),
        mesh=mesh,
        scratch_types=[
            pltpu.VMEM((CG,), jnp.int32),
            pltpu.VMEM((CG, D), jnp.int32),
            pltpu.VMEM((NPAD,), F32),
            pltpu.VMEM((NPAD,), F32),
            pltpu.SemaphoreType.DMA,
        ],
        compiler_params=pltpu.CompilerParams(
            needs_layout_passes=False, use_tc_tiling_on_sc=False),
    )
    def gather_k(v_hbm, i0_hbm, i1_hbm, zc_hbm,
                 s_out, r_out, c0_out, c1_out,
                 idx_v, rows_v, c0_v, c1_v, gsem):
        cid = lax.axis_index("c")
        sid = lax.axis_index("s")
        wid = sid * NC + cid
        ones16 = jnp.full((16,), 1.0, dtype=F32)

        pltpu.sync_copy(zc_hbm, c0_v)
        pltpu.sync_copy(zc_hbm, c1_v)

        def one_array(i_hbm, out_hbm, c_v):
            def body(k, carry):
                g = k * NW + wid

                @pl.when(g < G)
                def _():
                    base = pl.multiple_of(g * CG, CG)
                    pltpu.sync_copy(i_hbm.at[pl.ds(base, CG)], idx_v)
                    descs = [
                        pltpu.async_copy(
                            v_hbm.at[idx_v.at[pl.ds(j * 128, 128)]],
                            rows_v.at[pl.ds(j * 128, 128)],
                            gsem,
                        )
                        for j in range(CG // 128)
                    ]
                    for j in range(CG // 16):
                        plsc.addupdate_scatter(
                            c_v, [idx_v[pl.ds(j * 16, 16)]], ones16)
                    for d in descs:
                        d.wait()
                    pltpu.sync_copy(rows_v, out_hbm.at[pl.ds(base, CG)])

                return carry

            lax.fori_loop(0, KMAX, body, 0)

        one_array(i0_hbm, s_out, c0_v)
        one_array(i1_hbm, r_out, c1_v)

        pltpu.sync_copy(c0_v, c0_out.at[wid])
        pltpu.sync_copy(c1_v, c1_out.at[wid])

    return gather_k


def _build_scatter(NPAD, En, NW, mesh):
    H = 64
    G = En // 128
    NS = 16
    KMAX = _cdiv(G, NS)
    RPT = NPAD // 16

    @functools.partial(
        pl.kernel,
        out_type=jax.ShapeDtypeStruct((2 * NPAD, H), F32),
        mesh=mesh,
        scratch_types=[
            pltpu.VMEM_SHARED((NPAD, H), F32),
            pltpu.VMEM((1, 128), jnp.int32),
            pltpu.VMEM((128, H), F32),
            pltpu.VMEM((RPT, H), F32),
        ],
        compiler_params=pltpu.CompilerParams(use_tc_tiling_on_sc=False),
    )
    def scatter_k(ee_hbm, idx_hbm, z64_hbm,
                  s_out,
                  s_sh, idx_v, e_v, wr_v):
        cid = lax.axis_index("c")
        sid = lax.axis_index("s")

        pltpu.sync_copy(z64_hbm, s_sh.at[pl.ds(sid * RPT, RPT)])
        plsc.subcore_barrier()

        def body(k, carry):
            g = k * NS + sid

            @pl.when(g < G)
            def _():
                pltpu.sync_copy(idx_hbm.at[pl.ds(2 * g + cid, 1)], idx_v)
                pltpu.sync_copy(
                    ee_hbm.at[pl.ds(128 * g, 128), pl.ds(H * cid, H)], e_v)
                pltpu.sync_copy(e_v, s_sh.at[idx_v.at[0]], add=True)

            return carry

        lax.fori_loop(0, KMAX, body, 0)
        plsc.subcore_barrier()

        off = cid * NPAD + sid * RPT
        pltpu.sync_copy(s_sh.at[pl.ds(sid * RPT, RPT)], wr_v)
        pltpu.sync_copy(wr_v, s_out.at[pl.ds(off, RPT)])

    return scatter_k


def _edge_mlp(senders_i, receivers_i, E2, W1e, b1e, W2e, b2e):
    En, D = E2.shape
    BE = 512
    grid = En // BE
    HM = -65536

    Wp = jnp.concatenate(
        [W1e[0:D:2], W1e[1:D:2], W1e[D:2 * D:2], W1e[D + 1:2 * D:2]], axis=0)

    def unpack(w):
        lo = jax.lax.bitcast_convert_type(w << 16, F32)
        hi = jax.lax.bitcast_convert_type(w & HM, F32)
        return lo, hi

    def body(s_ref, r_ref, e_ref, wp_ref, w1e_ref, b1_ref, w2_ref, b2_ref,
             o_ref):
        wp = wp_ref[...]
        Hh = D // 2
        s_lo, s_hi = unpack(s_ref[...])
        r_lo, r_hi = unpack(r_ref[...])
        h = (jnp.dot(s_lo, wp[0:Hh], preferred_element_type=F32)
             + jnp.dot(s_hi, wp[Hh:2 * Hh], preferred_element_type=F32)
             + jnp.dot(r_lo, wp[2 * Hh:3 * Hh], preferred_element_type=F32)
             + jnp.dot(r_hi, wp[3 * Hh:4 * Hh], preferred_element_type=F32)
             + jnp.dot(e_ref[...], w1e_ref[...], preferred_element_type=F32)
             + b1_ref[...])
        h = h * (1.0 / (1.0 + jnp.exp(-h)))
        o_ref[...] = (
            jnp.dot(h, w2_ref[...], preferred_element_type=F32) + b2_ref[...]
        )

    return pl.pallas_call(
        body,
        grid=(grid,),
        in_specs=[
            pl.BlockSpec((BE, D // 2), lambda i: (i, 0)),
            pl.BlockSpec((BE, D // 2), lambda i: (i, 0)),
            pl.BlockSpec((BE, D), lambda i: (i, 0)),
            pl.BlockSpec((2 * D, 128), lambda i: (0, 0)),
            pl.BlockSpec((D, 128), lambda i: (0, 0)),
            pl.BlockSpec((1, 128), lambda i: (0, 0)),
            pl.BlockSpec(W2e.shape, lambda i: (0, 0)),
            pl.BlockSpec((1, D), lambda i: (0, 0)),
        ],
        out_specs=pl.BlockSpec((BE, D), lambda i: (i, 0)),
        out_shape=jax.ShapeDtypeStruct((En, D), F32),
    )(senders_i, receivers_i, E2, Wp, W1e[2 * D:3 * D],
      b1e.reshape(1, -1), W2e, b2e.reshape(1, -1))


def _node_mlp(V_pad, sf, c0p, c1p, W1n, b1n, W2n, b2n, NPAD, NW):
    D = V_pad.shape[1]
    H = 64
    BN = 1024
    grid = NPAD // BN
    sr = sf.reshape(2, NPAD, H)

    def body(v_ref, s_ref, c0_ref, c1_ref,
             w1_ref, b1_ref, w2_ref, b2_ref, o_ref):
        s0 = s_ref[0]
        s1 = s_ref[1]
        c0 = jnp.sum(c0_ref[...], axis=0)[:, None]
        c1 = jnp.sum(c1_ref[...], axis=0)[:, None]
        m0 = s0 / jnp.maximum(c0, 1.0)
        m1 = s1 / jnp.maximum(c1, 1.0)
        x = jnp.concatenate([v_ref[...], m0, m1], axis=1)
        h = jnp.dot(x, w1_ref[...], preferred_element_type=F32) + b1_ref[...]
        h = h * (1.0 / (1.0 + jnp.exp(-h)))
        o_ref[...] = (
            jnp.dot(h, w2_ref[...], preferred_element_type=F32) + b2_ref[...]
        )

    return pl.pallas_call(
        body,
        grid=(grid,),
        in_specs=[
            pl.BlockSpec((BN, D), lambda i: (i, 0)),
            pl.BlockSpec((2, BN, H), lambda i: (0, i, 0)),
            pl.BlockSpec((NW, BN), lambda i: (0, i)),
            pl.BlockSpec((NW, BN), lambda i: (0, i)),
            pl.BlockSpec(W1n.shape, lambda i: (0, 0)),
            pl.BlockSpec((1, 128), lambda i: (0, 0)),
            pl.BlockSpec(W2n.shape, lambda i: (0, 0)),
            pl.BlockSpec((1, D), lambda i: (0, 0)),
        ],
        out_specs=pl.BlockSpec((BN, D), lambda i: (i, 0)),
        out_shape=jax.ShapeDtypeStruct((NPAD, D), F32),
    )(V_pad, sr, c0p, c1p,
      W1n, b1n.reshape(1, -1), W2n, b2n.reshape(1, -1))


def kernel(V, E, edges, W1e, b1e, W2e, b2e, W1n, b1n, W2n, b2n):
    _, N, D = V.shape
    En = E.shape[1]
    NPAD = 10240
    info = plsc.get_sparse_core_info()
    NW = info.num_cores * info.num_subcores
    mesh = plsc.VectorSubcoreMesh(core_axis_name="c", subcore_axis_name="s")

    V2 = V[0]
    E2 = E[0]
    idx0 = edges[0, :, 0]
    idx1 = edges[0, :, 1]
    idx_comb = jnp.stack(
        [idx0.reshape(-1, 128), idx1.reshape(-1, 128)], axis=1
    ).reshape(-1, 128)

    RPT = NPAD // 16
    zc = jnp.zeros((NPAD,), dtype=F32)
    Vi = jax.lax.bitcast_convert_type(
        V2.astype(jnp.bfloat16).reshape(N, D // 2, 2), jnp.int32)
    senders, receivers, c0p, c1p = _build_gather(
        N, D // 2, En, NPAD, NW, mesh)(Vi, idx0, idx1, zc)

    edge_emb = _edge_mlp(senders, receivers, E2, W1e, b1e, W2e, b2e)

    z64 = jnp.zeros((RPT, 64), dtype=F32)
    sf = _build_scatter(NPAD, En, NW, mesh)(edge_emb, idx_comb, z64)

    V_pad = jnp.pad(V2, ((0, NPAD - N), (0, 0)))
    node_pad = _node_mlp(V_pad, sf, c0p, c1p, W1n, b1n, W2n, b2n, NPAD, NW)

    return node_pad[:N][None], edge_emb[None]

# --- scband reference (transcript-rebuilt; emitter-appended) ---
"""Pipeline reference for scband-gnn-39298950758409 (READ-ONLY COPY).

The authoritative reference and input builder live on the scoring server;
editing this copy changes nothing except your own understanding.
"""

import jax, jax.numpy as jnp
import numpy as np

N_NODES = 10000
N_EDGES = 320000
D = 128


def _lin_init(k, fan_in, fan_out):
    return jax.random.normal(k, (fan_in, fan_out), dtype=jnp.float32) * (1.0 / np.sqrt(fan_in))


def setup_inputs(seed: int = 0):
    key = jax.random.key(seed)
    ks = jax.random.split(key, 8)
    V = jax.random.normal(ks[0], (1, N_NODES, D), dtype=jnp.float32)
    E = jax.random.normal(ks[1], (1, N_EDGES, D), dtype=jnp.float32)
    edges = jax.random.randint(ks[2], (1, N_EDGES, 2), 0, N_NODES, dtype=jnp.int32)
    # f_edge MLP: Linear(3*D -> 128) -> SiLU -> Linear(128 -> D), no layer norm
    W1e = _lin_init(ks[3], 3 * D, 128)
    b1e = jnp.zeros((128,), dtype=jnp.float32)
    W2e = _lin_init(ks[4], 128, D)
    b2e = jnp.zeros((D,), dtype=jnp.float32)
    # f_node MLP: Linear(2*D -> 128) -> SiLU -> Linear(128 -> D), no layer norm
    W1n = _lin_init(ks[5], 2 * D, 128)
    b1n = jnp.zeros((128,), dtype=jnp.float32)
    W2n = _lin_init(ks[6], 128, D)
    b2n = jnp.zeros((D,), dtype=jnp.float32)
    return {"V": V, "E": E, "edges": edges, "W1e": W1e, "b1e": b1e, "W2e": W2e, "b2e": b2e, "W1n": W1n, "b1n": b1n, "W2n": W2n, "b2n": b2n}


def reference(V, E, edges, W1e, b1e, W2e, b2e, W1n, b1n, W2n, b2n):
    bs, N, dv = V.shape
    # gather senders / receivers (torch.gather along node dim)
    senders = jnp.take_along_axis(V, edges[..., 0][..., None], axis=1)
    receivers = jnp.take_along_axis(V, edges[..., 1][..., None], axis=1)
    edge_inpt = jnp.concatenate([senders, receivers, E], axis=-1)
    h = jax.nn.silu(edge_inpt @ W1e + b1e)
    edge_embeddings = h @ W2e + b2e
    half = edge_embeddings.shape[-1] // 2
    e0 = edge_embeddings[..., :half]
    e1 = edge_embeddings[..., half:]

    def scatter_mean(vals, idx):
        sums = jnp.zeros((N, vals.shape[-1]), dtype=vals.dtype).at[idx].add(vals)
        cnt = jnp.zeros((N,), dtype=vals.dtype).at[idx].add(1.0)
        return sums / jnp.clip(cnt, 1.0)[:, None]

    edge_mean_0 = jax.vmap(scatter_mean)(e0, edges[..., 0])
    edge_mean_1 = jax.vmap(scatter_mean)(e1, edges[..., 1])
    edge_mean = jnp.concatenate([edge_mean_0, edge_mean_1], axis=-1)
    node_inpt = jnp.concatenate([V, edge_mean], axis=-1)
    hn = jax.nn.silu(node_inpt @ W1n + b1n)
    node_embeddings = hn @ W2n + b2n
    return (node_embeddings, edge_embeddings)

if __name__ == "__main__":
    import jax
    _d = setup_inputs()
    print(jax.jit(kernel)(*tuple(_d.values())))

</pallas_src>

<mosaic_0001>
#map = affine_map<(d0, d1) -> (0, 0)>
module attributes {stable_mosaic.version = 14 : i64} {
  func.func @scatter_k(%arg0: i32, %arg1: i32, %arg2: memref<320000x128xf32, #tpu.memory_space<hbm>>, %arg3: memref<5000x128xi32, #tpu.memory_space<hbm>>, %arg4: memref<640x64xf32, #tpu.memory_space<hbm>>, %arg5: memref<20480x64xf32, #tpu.memory_space<hbm>>, %arg6: memref<10240x64xf32, #tpu.memory_space<vmem_shared>>, %arg7: memref<1x128xi32, #tpu.memory_space<vmem>>, %arg8: memref<128x64xf32, #tpu.memory_space<vmem>>, %arg9: memref<640x64xf32, #tpu.memory_space<vmem>>) attributes {dimension_semantics = [#tpu.dimension_semantics<core_parallel>, #tpu.dimension_semantics<subcore_parallel>], iteration_bounds = array<i64: 2, 16>, scalar_prefetch = 0 : i64, scratch_operands = 4 : i64, tpu.core_type = #tpu.core_type<sc_vector_subcore>, window_params = [{transform_indices = #map}, {transform_indices = #map}, {transform_indices = #map}, {transform_indices = #map}]} {
    %mul3A = arith.constant 640 : i32
    %mul3A_0 = arith.muli %arg1, %mul3A : i32
    "tpu.region"() ({
      %run_scoped3A = tpu.sem_alloc : memref<!tpu.dma_semaphore, #tpu.memory_space<semaphore_mem>>
      %dma_start3A = arith.constant 0 : i32
      %dma_start3A_13 = tpu.memref_slice %arg6[%mul3A_0, %dma_start3A] : memref<10240x64xf32, #tpu.memory_space<vmem_shared>> -> memref<640x64xf32, #tpu.memory_space<vmem_shared>>
      tpu.enqueue_dma source(%arg4 : memref<640x64xf32, #tpu.memory_space<hbm>>) target(%dma_start3A_13 : memref<640x64xf32, #tpu.memory_space<vmem_shared>>) target_semaphore(%run_scoped3A : memref<!tpu.dma_semaphore, #tpu.memory_space<semaphore_mem>>)
      %dma_wait3A = arith.constant 0 : i32
      %dma_wait3A_14 = tpu.memref_slice %arg6[%mul3A_0, %dma_wait3A] : memref<10240x64xf32, #tpu.memory_space<vmem_shared>> -> memref<640x64xf32, #tpu.memory_space<vmem_shared>>
      tpu.wait_dma2 semaphore(%run_scoped3A : memref<!tpu.dma_semaphore, #tpu.memory_space<semaphore_mem>>) src(%arg4 : memref<640x64xf32, #tpu.memory_space<hbm>>) dst(%dma_wait3A_14 : memref<640x64xf32, #tpu.memory_space<vmem_shared>>)
      tpu.yield
    }) : () -> ()
    %barrier3A = arith.constant 0 : index
    tpu.barrier barrier_id(%barrier3A)
    %scan3A = arith.constant 0 : i32
    %scan3A_1 = arith.constant 0 : i32
    %scan3A_2 = arith.constant 157 : i32
    %scan3A_3 = arith.addi %scan3A_1, %scan3A_2 : i32
    %scan3A_4 = arith.constant 1 : i32
    scf.for %scan3A_13 = %scan3A_1 to %scan3A_3 step %scan3A_4  : i32 {
      %mul3A_14 = arith.constant 16 : i32
      %mul3A_15 = arith.muli %scan3A_13, %mul3A_14 : i32
      %add3A_16 = arith.addi %mul3A_15, %arg1 : i32
      %lt3A = arith.constant 2500 : i32
      %lt3A_17 = arith.cmpi slt, %add3A_16, %lt3A : i32
      %convert_element_type3A = arith.extui %lt3A_17 : i1 to i32
      %cond3A = arith.constant 0 : i32
      %cond3A_18 = arith.cmpi ne, %convert_element_type3A, %cond3A : i32
      scf.if %cond3A_18 {
        %mul3A_19 = arith.constant 2 : i32
        %mul3A_20 = arith.muli %mul3A_19, %add3A_16 : i32
        %add3A_21 = arith.addi %mul3A_20, %arg0 : i32
        "tpu.region"() ({
          %run_scoped3A_26 = tpu.sem_alloc : memref<!tpu.dma_semaphore, #tpu.memory_space<semaphore_mem>>
          %dma_start3A = arith.constant 0 : i32
          %dma_start3A_27 = tpu.memref_slice %arg3[%add3A_21, %dma_start3A] : memref<5000x128xi32, #tpu.memory_space<hbm>> -> memref<1x128xi32, #tpu.memory_space<hbm>>
          %dma_start3A_28 = arith.constant 0 : i32
          %dma_start3A_29 = tpu.memref_slice %arg3[%add3A_21, %dma_start3A_28] : memref<5000x128xi32, #tpu.memory_space<hbm>> -> memref<1x128xi32, #tpu.memory_space<hbm>>
          tpu.enqueue_dma source(%dma_start3A_29 : memref<1x128xi32, #tpu.memory_space<hbm>>) target(%arg7 : memref<1x128xi32, #tpu.memory_space<vmem>>) target_semaphore(%run_scoped3A_26 : memref<!tpu.dma_semaphore, #tpu.memory_space<semaphore_mem>>)
          %dma_wait3A = arith.constant 0 : i32
          %dma_wait3A_30 = tpu.memref_slice %arg3[%add3A_21, %dma_wait3A] : memref<5000x128xi32, #tpu.memory_space<hbm>> -> memref<1x128xi32, #tpu.memory_space<hbm>>
          %dma_wait3A_31 = arith.constant 0 : i32
          %dma_wait3A_32 = tpu.memref_slice %arg3[%add3A_21, %dma_wait3A_31] : memref<5000x128xi32, #tpu.memory_space<hbm>> -> memref<1x128xi32, #tpu.memory_space<hbm>>
          tpu.wait_dma2 semaphore(%run_scoped3A_26 : memref<!tpu.dma_semaphore, #tpu.memory_space<semaphore_mem>>) src(%dma_wait3A_32 : memref<1x128xi32, #tpu.memory_space<hbm>>) dst(%arg7 : memref<1x128xi32, #tpu.memory_space<vmem>>)
          tpu.yield
        }) : () -> ()
        %mul3A_22 = arith.constant 128 : i32
        %mul3A_23 = arith.muli %mul3A_22, %add3A_16 : i32
        %mul3A_24 = arith.constant 64 : i32
        %mul3A_25 = arith.muli %mul3A_24, %arg0 : i32
        "tpu.region"() ({
          %run_scoped3A_26 = tpu.sem_alloc : memref<!tpu.dma_semaphore, #tpu.memory_space<semaphore_mem>>
          %dma_start3A = tpu.memref_slice %arg2[%mul3A_23, %mul3A_25] : memref<320000x128xf32, #tpu.memory_space<hbm>> -> memref<128x64xf32, #tpu.memory_space<hbm>>
          %dma_start3A_27 = tpu.memref_slice %arg2[%mul3A_23, %mul3A_25] : memref<320000x128xf32, #tpu.memory_space<hbm>> -> memref<128x64xf32, #tpu.memory_space<hbm>>
          tpu.enqueue_dma source(%dma_start3A_27 : memref<128x64xf32, #tpu.memory_space<hbm>>) target(%arg8 : memref<128x64xf32, #tpu.memory_space<vmem>>) target_semaphore(%run_scoped3A_26 : memref<!tpu.dma_semaphore, #tpu.memory_space<semaphore_mem>>)
          %dma_wait3A = tpu.memref_slice %arg2[%mul3A_23, %mul3A_25] : memref<320000x128xf32, #tpu.memory_space<hbm>> -> memref<128x64xf32, #tpu.memory_space<hbm>>
          %dma_wait3A_28 = tpu.memref_slice %arg2[%mul3A_23, %mul3A_25] : memref<320000x128xf32, #tpu.memory_space<hbm>> -> memref<128x64xf32, #tpu.memory_space<hbm>>
          tpu.wait_dma2 semaphore(%run_scoped3A_26 : memref<!tpu.dma_semaphore, #tpu.memory_space<semaphore_mem>>) src(%dma_wait3A_28 : memref<128x64xf32, #tpu.memory_space<hbm>>) dst(%arg8 : memref<128x64xf32, #tpu.memory_space<vmem>>)
          tpu.yield
        }) : () -> ()
        %run_scoped3A = arith.constant 0 : i32
        "tpu.region"() ({
          %run_scoped3A_26 = tpu.sem_alloc : memref<!tpu.dma_semaphore, #tpu.memory_space<semaphore_mem>>
          %dma_start3A = arith.constant 0 : i32
          %dma_start3A_27 = tpu.memref_slice %arg7[%run_scoped3A, %dma_start3A] : memref<1x128xi32, #tpu.memory_space<vmem>> -> memref<1x128xi32, #tpu.memory_space<vmem>>
          %dma_start3A_28 = tpu.memref_squeeze %dma_start3A_27 : memref<1x128xi32, #tpu.memory_space<vmem>> -> memref<128xi32, #tpu.memory_space<vmem>>
          %dma_start3A_29 = arith.constant 0 : i32
          %dma_start3A_30 = arith.constant 0 : i32
          %dma_start3A_31 = tpu.memref_slice %arg6[%dma_start3A_29, %dma_start3A_30] : memref<10240x64xf32, #tpu.memory_space<vmem_shared>> -> memref<10240x64xf32, #tpu.memory_space<vmem_shared>>
          tpu.enqueue_indirect_dma source(%arg8 : memref<128x64xf32, #tpu.memory_space<vmem>>) target(%dma_start3A_31 : memref<10240x64xf32, #tpu.memory_space<vmem_shared>>) offsets(%dma_start3A_28 : memref<128xi32, #tpu.memory_space<vmem>>) semaphore(%run_scoped3A_26 : memref<!tpu.dma_semaphore, #tpu.memory_space<semaphore_mem>>) {add = true}
          %dma_wait3A = arith.constant 0 : i32
          %dma_wait3A_32 = tpu.memref_slice %arg7[%run_scoped3A, %dma_wait3A] : memref<1x128xi32, #tpu.memory_space<vmem>> -> memref<1x128xi32, #tpu.memory_space<vmem>>
          %dma_wait3A_33 = tpu.memref_squeeze %dma_wait3A_32 : memref<1x128xi32, #tpu.memory_space<vmem>> -> memref<128xi32, #tpu.memory_space<vmem>>
          %dma_wait3A_34 = arith.constant 0 : i32
          %dma_wait3A_35 = arith.constant 0 : i32
          %dma_wait3A_36 = tpu.memref_slice %arg6[%dma_wait3A_34, %dma_wait3A_35] : memref<10240x64xf32, #tpu.memory_space<vmem_shared>> -> memref<10240x64xf32, #tpu.memory_space<vmem_shared>>
          tpu.wait_indirect_dma semaphore(%run_scoped3A_26 : memref<!tpu.dma_semaphore, #tpu.memory_space<semaphore_mem>>) src(%arg8 : memref<128x64xf32, #tpu.memory_space<vmem>>) dst(%dma_wait3A_36 : memref<10240x64xf32, #tpu.memory_space<vmem_shared>>)
          tpu.yield
        }) : () -> ()
      } else {
      }
    }
    %scan3A_5 = arith.constant 157 : i32
    %barrier3A_6 = arith.constant 0 : index
    tpu.barrier barrier_id(%barrier3A_6)
    %mul3A_7 = arith.constant 10240 : i32
    %mul3A_8 = arith.muli %arg0, %mul3A_7 : i32
    %mul3A_9 = arith.constant 640 : i32
    %mul3A_10 = arith.muli %arg1, %mul3A_9 : i32
    %add3A = arith.addi %mul3A_8, %mul3A_10 : i32
    %mul3A_11 = arith.constant 640 : i32
    %mul3A_12 = arith.muli %arg1, %mul3A_11 : i32
    "tpu.region"() ({
      %run_scoped3A = tpu.sem_alloc : memref<!tpu.dma_semaphore, #tpu.memory_space<semaphore_mem>>
      %dma_start3A = arith.constant 0 : i32
      %dma_start3A_13 = tpu.memref_slice %arg6[%mul3A_12, %dma_start3A] : memref<10240x64xf32, #tpu.memory_space<vmem_shared>> -> memref<640x64xf32, #tpu.memory_space<vmem_shared>>
      %dma_start3A_14 = arith.constant 0 : i32
      %dma_start3A_15 = tpu.memref_slice %arg6[%mul3A_12, %dma_start3A_14] : memref<10240x64xf32, #tpu.memory_space<vmem_shared>> -> memref<640x64xf32, #tpu.memory_space<vmem_shared>>
      tpu.enqueue_dma source(%dma_start3A_15 : memref<640x64xf32, #tpu.memory_space<vmem_shared>>) target(%arg9 : memref<640x64xf32, #tpu.memory_space<vmem>>) target_semaphore(%run_scoped3A : memref<!tpu.dma_semaphore, #tpu.memory_space<semaphore_mem>>)
      %dma_wait3A = arith.constant 0 : i32
      %dma_wait3A_16 = tpu.memref_slice %arg6[%mul3A_12, %dma_wait3A] : memref<10240x64xf32, #tpu.memory_space<vmem_shared>> -> memref<640x64xf32, #tpu.memory_space<vmem_shared>>
      %dma_wait3A_17 = arith.constant 0 : i32
      %dma_wait3A_18 = tpu.memref_slice %arg6[%mul3A_12, %dma_wait3A_17] : memref<10240x64xf32, #tpu.memory_space<vmem_shared>> -> memref<640x64xf32, #tpu.memory_space<vmem_shared>>
      tpu.wait_dma2 semaphore(%run_scoped3A : memref<!tpu.dma_semaphore, #tpu.memory_space<semaphore_mem>>) src(%dma_wait3A_18 : memref<640x64xf32, #tpu.memory_space<vmem_shared>>) dst(%arg9 : memref<640x64xf32, #tpu.memory_space<vmem>>)
      tpu.yield
    }) : () -> ()
    "tpu.region"() ({
      %run_scoped3A = tpu.sem_alloc : memref<!tpu.dma_semaphore, #tpu.memory_space<semaphore_mem>>
      %dma_start3A = arith.constant 0 : i32
      %dma_start3A_13 = tpu.memref_slice %arg5[%add3A, %dma_start3A] : memref<20480x64xf32, #tpu.memory_space<hbm>> -> memref<640x64xf32, #tpu.memory_space<hbm>>
      %dma_start3A_14 = arith.constant 0 : i32
      %dma_start3A_15 = tpu.memref_slice %arg5[%add3A, %dma_start3A_14] : memref<20480x64xf32, #tpu.memory_space<hbm>> -> memref<640x64xf32, #tpu.memory_space<hbm>>
      tpu.enqueue_dma source(%arg9 : memref<640x64xf32, #tpu.memory_space<vmem>>) target(%dma_start3A_15 : memref<640x64xf32, #tpu.memory_space<hbm>>) target_semaphore(%run_scoped3A : memref<!tpu.dma_semaphore, #tpu.memory_space<semaphore_mem>>)
      %dma_wait3A = arith.constant 0 : i32
      %dma_wait3A_16 = tpu.memref_slice %arg5[%add3A, %dma_wait3A] : memref<20480x64xf32, #tpu.memory_space<hbm>> -> memref<640x64xf32, #tpu.memory_space<hbm>>
      %dma_wait3A_17 = arith.constant 0 : i32
      %dma_wait3A_18 = tpu.memref_slice %arg5[%add3A, %dma_wait3A_17] : memref<20480x64xf32, #tpu.memory_space<hbm>> -> memref<640x64xf32, #tpu.memory_space<hbm>>
      tpu.wait_dma2 semaphore(%run_scoped3A : memref<!tpu.dma_semaphore, #tpu.memory_space<semaphore_mem>>) src(%arg9 : memref<640x64xf32, #tpu.memory_space<vmem>>) dst(%dma_wait3A_18 : memref<640x64xf32, #tpu.memory_space<hbm>>)
      tpu.yield
    }) : () -> ()
    return
  }
}

#map = affine_map<(d0, d1) -> (0, 0)>
#map1 = affine_map<(d0, d1) -> (0)>
module attributes {stable_mosaic.version = 14 : i64} {
  func.func @gather_k(%arg0: i32, %arg1: i32, %arg2: memref<10000x64xi32, #tpu.memory_space<hbm>>, %arg3: memref<320000xi32, #tpu.memory_space<hbm>>, %arg4: memref<320000xi32, #tpu.memory_space<hbm>>, %arg5: memref<10240xf32, #tpu.memory_space<hbm>>, %arg6: memref<320000x64xi32, #tpu.memory_space<hbm>>, %arg7: memref<320000x64xi32, #tpu.memory_space<hbm>>, %arg8: memref<32x10240xf32, #tpu.memory_space<hbm>>, %arg9: memref<32x10240xf32, #tpu.memory_space<hbm>>, %arg10: memref<512xi32, #tpu.memory_space<vmem>>, %arg11: memref<512x64xi32, #tpu.memory_space<vmem>>, %arg12: memref<10240xf32, #tpu.memory_space<vmem>>, %arg13: memref<10240xf32, #tpu.memory_space<vmem>>, %arg14: memref<!tpu.dma_semaphore, #tpu.memory_space<semaphore_mem>>) attributes {dimension_semantics = [#tpu.dimension_semantics<core_parallel>, #tpu.dimension_semantics<subcore_parallel>], iteration_bounds = array<i64: 2, 16>, scalar_prefetch = 0 : i64, scratch_operands = 5 : i64, tpu.core_type = #tpu.core_type<sc_vector_subcore>, window_params = [{transform_indices = #map}, {transform_indices = #map1}, {transform_indices = #map1}, {transform_indices = #map1}, {transform_indices = #map}, {transform_indices = #map}, {transform_indices = #map}, {transform_indices = #map}]} {
    %mul3A = arith.constant 2 : i32
    %mul3A_0 = arith.muli %arg1, %mul3A : i32
    %add3A = arith.addi %mul3A_0, %arg0 : i32
    %broadcast_in_dim3A = arith.constant 1.000000e+00 : f32
    %broadcast_in_dim3A_1 = vector.broadcast %broadcast_in_dim3A : f32 to vector<16xf32>
    "tpu.region"() ({
      %run_scoped3A = tpu.sem_alloc : memref<!tpu.dma_semaphore, #tpu.memory_space<semaphore_mem>>
      tpu.enqueue_dma source(%arg5 : memref<10240xf32, #tpu.memory_space<hbm>>) target(%arg12 : memref<10240xf32, #tpu.memory_space<vmem>>) target_semaphore(%run_scoped3A : memref<!tpu.dma_semaphore, #tpu.memory_space<semaphore_mem>>)
      tpu.wait_dma2 semaphore(%run_scoped3A : memref<!tpu.dma_semaphore, #tpu.memory_space<semaphore_mem>>) src(%arg5 : memref<10240xf32, #tpu.memory_space<hbm>>) dst(%arg12 : memref<10240xf32, #tpu.memory_space<vmem>>)
      tpu.yield
    }) : () -> ()
    "tpu.region"() ({
      %run_scoped3A = tpu.sem_alloc : memref<!tpu.dma_semaphore, #tpu.memory_space<semaphore_mem>>
      tpu.enqueue_dma source(%arg5 : memref<10240xf32, #tpu.memory_space<hbm>>) target(%arg13 : memref<10240xf32, #tpu.memory_space<vmem>>) target_semaphore(%run_scoped3A : memref<!tpu.dma_semaphore, #tpu.memory_space<semaphore_mem>>)
      tpu.wait_dma2 semaphore(%run_scoped3A : memref<!tpu.dma_semaphore, #tpu.memory_space<semaphore_mem>>) src(%arg5 : memref<10240xf32, #tpu.memory_space<hbm>>) dst(%arg13 : memref<10240xf32, #tpu.memory_space<vmem>>)
      tpu.yield
    }) : () -> ()
    %scan3A = arith.constant 0 : i32
    %scan3A_2 = arith.constant 0 : i32
    %scan3A_3 = arith.constant 20 : i32
    %scan3A_4 = arith.addi %scan3A_2, %scan3A_3 : i32
    %scan3A_5 = arith.constant 1 : i32
    scf.for %scan3A_13 = %scan3A_2 to %scan3A_4 step %scan3A_5  : i32 {
      %mul3A_14 = arith.constant 32 : i32
      %mul3A_15 = arith.muli %scan3A_13, %mul3A_14 : i32
      %add3A_16 = arith.addi %mul3A_15, %add3A : i32
      %lt3A = arith.constant 625 : i32
      %lt3A_17 = arith.cmpi slt, %add3A_16, %lt3A : i32
      %convert_element_type3A = arith.extui %lt3A_17 : i1 to i32
      %cond3A = arith.constant 0 : i32
      %cond3A_18 = arith.cmpi ne, %convert_element_type3A, %cond3A : i32
      scf.if %cond3A_18 {
        %mul3A_19 = arith.constant 512 : i32
        %mul3A_20 = arith.muli %add3A_16, %mul3A_19 : i32
        %multiple_of3A = tpu.assume_multiple %mul3A_20, 512 : i32
        "tpu.region"() ({
          %run_scoped3A = tpu.sem_alloc : memref<!tpu.dma_semaphore, #tpu.memory_space<semaphore_mem>>
          %dma_start3A_146 = tpu.memref_slice %arg3[%multiple_of3A] : memref<320000xi32, #tpu.memory_space<hbm>> -> memref<512xi32, #tpu.memory_space<hbm>>
          %dma_start3A_147 = tpu.memref_slice %arg3[%multiple_of3A] : memref<320000xi32, #tpu.memory_space<hbm>> -> memref<512xi32, #tpu.memory_space<hbm>>
          tpu.enqueue_dma source(%dma_start3A_147 : memref<512xi32, #tpu.memory_space<hbm>>) target(%arg10 : memref<512xi32, #tpu.memory_space<vmem>>) target_semaphore(%run_scoped3A : memref<!tpu.dma_semaphore, #tpu.memory_space<semaphore_mem>>)
          %dma_wait3A_148 = tpu.memref_slice %arg3[%multiple_of3A] : memref<320000xi32, #tpu.memory_space<hbm>> -> memref<512xi32, #tpu.memory_space<hbm>>
          %dma_wait3A_149 = tpu.memref_slice %arg3[%multiple_of3A] : memref<320000xi32, #tpu.memory_space<hbm>> -> memref<512xi32, #tpu.memory_space<hbm>>
          tpu.wait_dma2 semaphore(%run_scoped3A : memref<!tpu.dma_semaphore, #tpu.memory_space<semaphore_mem>>) src(%dma_wait3A_149 : memref<512xi32, #tpu.memory_space<hbm>>) dst(%arg10 : memref<512xi32, #tpu.memory_space<vmem>>)
          tpu.yield
        }) : () -> ()
        %dma_start3A = arith.constant 0 : i32
        %dma_start3A_21 = arith.constant 0 : i32
        %dma_start3A_22 = tpu.memref_slice %arg11[%dma_start3A, %dma_start3A_21] : memref<512x64xi32, #tpu.memory_space<vmem>> -> memref<128x64xi32, #tpu.memory_space<vmem>>
        %dma_start3A_23 = arith.constant 0 : i32
        %dma_start3A_24 = tpu.memref_slice %arg10[%dma_start3A_23] : memref<512xi32, #tpu.memory_space<vmem>> -> memref<128xi32, #tpu.memory_space<vmem>>
        %dma_start3A_25 = arith.constant 0 : i32
        %dma_start3A_26 = arith.constant 0 : i32
        %dma_start3A_27 = tpu.memref_slice %arg2[%dma_start3A_25, %dma_start3A_26] : memref<10000x64xi32, #tpu.memory_space<hbm>> -> memref<10000x64xi32, #tpu.memory_space<hbm>>
        tpu.enqueue_indirect_dma source(%dma_start3A_27 : memref<10000x64xi32, #tpu.memory_space<hbm>>) target(%dma_start3A_22 : memref<128x64xi32, #tpu.memory_space<vmem>>) offsets(%dma_start3A_24 : memref<128xi32, #tpu.memory_space<vmem>>) semaphore(%arg14 : memref<!tpu.dma_semaphore, #tpu.memory_space<semaphore_mem>>)
        %dma_start3A_28 = arith.constant 128 : i32
        %dma_start3A_29 = arith.constant 0 : i32
        %dma_start3A_30 = tpu.memref_slice %arg11[%dma_start3A_28, %dma_start3A_29] : memref<512x64xi32, #tpu.memory_space<vmem>> -> memref<128x64xi32, #tpu.memory_space<vmem>>
        %dma_start3A_31 = arith.constant 128 : i32
        %dma_start3A_32 = tpu.memref_slice %arg10[%dma_start3A_31] : memref<512xi32, #tpu.memory_space<vmem>> -> memref<128xi32, #tpu.memory_space<vmem>>
        %dma_start3A_33 = arith.constant 0 : i32
        %dma_start3A_34 = arith.constant 0 : i32
        %dma_start3A_35 = tpu.memref_slice %arg2[%dma_start3A_33, %dma_start3A_34] : memref<10000x64xi32, #tpu.memory_space<hbm>> -> memref<10000x64xi32, #tpu.memory_space<hbm>>
        tpu.enqueue_indirect_dma source(%dma_start3A_35 : memref<10000x64xi32, #tpu.memory_space<hbm>>) target(%dma_start3A_30 : memref<128x64xi32, #tpu.memory_space<vmem>>) offsets(%dma_start3A_32 : memref<128xi32, #tpu.memory_space<vmem>>) semaphore(%arg14 : memref<!tpu.dma_semaphore, #tpu.memory_space<semaphore_mem>>)
        %dma_start3A_36 = arith.constant 256 : i32
        %dma_start3A_37 = arith.constant 0 : i32
        %dma_start3A_38 = tpu.memref_slice %arg11[%dma_start3A_36, %dma_start3A_37] : memref<512x64xi32, #tpu.memory_space<vmem>> -> memref<128x64xi32, #tpu.memory_space<vmem>>
        %dma_start3A_39 = arith.constant 256 : i32
        %dma_start3A_40 = tpu.memref_slice %arg10[%dma_start3A_39] : memref<512xi32, #tpu.memory_space<vmem>> -> memref<128xi32, #tpu.memory_space<vmem>>
        %dma_start3A_41 = arith.constant 0 : i32
        %dma_start3A_42 = arith.constant 0 : i32
        %dma_start3A_43 = tpu.memref_slice %arg2[%dma_start3A_41, %dma_start3A_42] : memref<10000x64xi32, #tpu.memory_space<hbm>> -> memref<10000x64xi32, #tpu.memory_space<hbm>>
        tpu.enqueue_indirect_dma source(%dma_start3A_43 : memref<10000x64xi32, #tpu.memory_space<hbm>>) target(%dma_start3A_38 : memref<128x64xi32, #tpu.memory_space<vmem>>) offsets(%dma_start3A_40 : memref<128xi32, #tpu.memory_space<vmem>>) semaphore(%arg14 : memref<!tpu.dma_semaphore, #tpu.memory_space<semaphore_mem>>)
        %dma_start3A_44 = arith.constant 384 : i32
        %dma_start3A_45 = arith.constant 0 : i32
        %dma_start3A_46 = tpu.memref_slice %arg11[%dma_start3A_44, %dma_start3A_45] : memref<512x64xi32, #tpu.memory_space<vmem>> -> memref<128x64xi32, #tpu.memory_space<vmem>>
        %dma_start3A_47 = arith.constant 384 : i32
        %dma_start3A_48 = tpu.memref_slice %arg10[%dma_start3A_47] : memref<512xi32, #tpu.memory_space<vmem>> -> memref<128xi32, #tpu.memory_space<vmem>>
        %dma_start3A_49 = arith.constant 0 : i32
        %dma_start3A_50 = arith.constant 0 : i32
        %dma_start3A_51 = tpu.memref_slice %arg2[%dma_start3A_49, %dma_start3A_50] : memref<10000x64xi32, #tpu.memory_space<hbm>> -> memref<10000x64xi32, #tpu.memory_space<hbm>>
        tpu.enqueue_indirect_dma source(%dma_start3A_51 : memref<10000x64xi32, #tpu.memory_space<hbm>>) target(%dma_start3A_46 : memref<128x64xi32, #tpu.memory_space<vmem>>) offsets(%dma_start3A_48 : memref<128xi32, #tpu.memory_space<vmem>>) semaphore(%arg14 : memref<!tpu.dma_semaphore, #tpu.memory_space<semaphore_mem>>)
        %get3A = arith.constant 0 : index
        %get3A_52 = tpu.vector_load %arg10[%get3A] {strides = array<i32>} : memref<512xi32, #tpu.memory_space<vmem>>, vector<16xi32>,
        tpu.vector_store_idx %arg12[%get3A_52], %broadcast_in_dim3A_1 {add = true} : memref<10240xf32, #tpu.memory_space<vmem>>[vector<16xi32>], vector<16xf32>,
        %get3A_53 = arith.constant 16 : index
        %get3A_54 = tpu.vector_load %arg10[%get3A_53] {strides = array<i32>} : memref<512xi32, #tpu.memory_space<vmem>>, vector<16xi32>,
        tpu.vector_store_idx %arg12[%get3A_54], %broadcast_in_dim3A_1 {add = true} : memref<10240xf32, #tpu.memory_space<vmem>>[vector<16xi32>], vector<16xf32>,
        %get3A_55 = arith.constant 32 : index
        %get3A_56 = tpu.vector_load %arg10[%get3A_55] {strides = array<i32>} : memref<512xi32, #tpu.memory_space<vmem>>, vector<16xi32>,
        tpu.vector_store_idx %arg12[%get3A_56], %broadcast_in_dim3A_1 {add = true} : memref<10240xf32, #tpu.memory_space<vmem>>[vector<16xi32>], vector<16xf32>,
        %get3A_57 = arith.constant 48 : index
        %get3A_58 = tpu.vector_load %arg10[%get3A_57] {strides = array<i32>} : memref<512xi32, #tpu.memory_space<vmem>>, vector<16xi32>,
        tpu.vector_store_idx %arg12[%get3A_58], %broadcast_in_dim3A_1 {add = true} : memref<10240xf32, #tpu.memory_space<vmem>>[vector<16xi32>], vector<16xf32>,
        %get3A_59 = arith.constant 64 : index
        %get3A_60 = tpu.vector_load %arg10[%get3A_59] {strides = array<i32>} : memref<512xi32, #tpu.memory_space<vmem>>, vector<16xi32>,
        tpu.vector_store_idx %arg12[%get3A_60], %broadcast_in_dim3A_1 {add = true} : memref<10240xf32, #tpu.memory_space<vmem>>[vector<16xi32>], vector<16xf32>,
        %get3A_61 = arith.constant 80 : index
        %get3A_62 = tpu.vector_load %arg10[%get3A_61] {strides = array<i32>} : memref<512xi32, #tpu.memory_space<vmem>>, vector<16xi32>,
        tpu.vector_store_idx %arg12[%get3A_62], %broadcast_in_dim3A_1 {add = true} : memref<10240xf32, #tpu.memory_space<vmem>>[vector<16xi32>], vector<16xf32>,
        %get3A_63 = arith.constant 96 : index
        %get3A_64 = tpu.vector_load %arg10[%get3A_63] {strides = array<i32>} : memref<512xi32, #tpu.memory_space<vmem>>, vector<16xi32>,
        tpu.vector_store_idx %arg12[%get3A_64], %broadcast_in_dim3A_1 {add = true} : memref<10240xf32, #tpu.memory_space<vmem>>[vector<16xi32>], vector<16xf32>,
        %get3A_65 = arith.constant 112 : index
        %get3A_66 = tpu.vector_load %arg10[%get3A_65] {strides = array<i32>} : memref<512xi32, #tpu.memory_space<vmem>>, vector<16xi32>,
        tpu.vector_store_idx %arg12[%get3A_66], %broadcast_in_dim3A_1 {add = true} : memref<10240xf32, #tpu.memory_space<vmem>>[vector<16xi32>], vector<16xf32>,
        %get3A_67 = arith.constant 128 : index
        %get3A_68 = tpu.vector_load %arg10[%get3A_67] {strides = array<i32>} : memref<512xi32, #tpu.memory_space<vmem>>, vector<16xi32>,
        tpu.vector_store_idx %arg12[%get3A_68], %broadcast_in_dim3A_1 {add = true} : memref<10240xf32, #tpu.memory_space<vmem>>[vector<16xi32>], vector<16xf32>,
        %get3A_69 = arith.constant 144 : index
        %get3A_70 = tpu.vector_load %arg10[%get3A_69] {strides = array<i32>} : memref<512xi32, #tpu.memory_space<vmem>>, vector<16xi32>,
        tpu.vector_store_idx %arg12[%get3A_70], %broadcast_in_dim3A_1 {add = true} : memref<10240xf32, #tpu.memory_space<vmem>>[vector<16xi32>], vector<16xf32>,
        %get3A_71 = arith.constant 160 : index
        %get3A_72 = tpu.vector_load %arg10[%get3A_71] {strides = array<i32>} : memref<512xi32, #tpu.memory_space<vmem>>, vector<16xi32>,
        tpu.vector_store_idx %arg12[%get3A_72], %broadcast_in_dim3A_1 {add = true} : memref<10240xf32, #tpu.memory_space<vmem>>[vector<16xi32>], vector<16xf32>,
        %get3A_73 = arith.constant 176 : index
        %get3A_74 = tpu.vector_load %arg10[%get3A_73] {strides = array<i32>} : memref<512xi32, #tpu.memory_space<vmem>>, vector<16xi32>,
        tpu.vector_store_idx %arg12[%get3A_74], %broadcast_in_dim3A_1 {add = true} : memref<10240xf32, #tpu.memory_space<vmem>>[vector<16xi32>], vector<16xf32>,
        %get3A_75 = arith.constant 192 : index
        %get3A_76 = tpu.vector_load %arg10[%get3A_75] {strides = array<i32>} : memref<512xi32, #tpu.memory_space<vmem>>, vector<16xi32>,
        tpu.vector_store_idx %arg12[%get3A_76], %broadcast_in_dim3A_1 {add = true} : memref<10240xf32, #tpu.memory_space<vmem>>[vector<16xi32>], vector<16xf32>,
        %get3A_77 = arith.constant 208 : index
        %get3A_78 = tpu.vector_load %arg10[%get3A_77] {strides = array<i32>} : memref<512xi32, #tpu.memory_space<vmem>>, vector<16xi32>,
        tpu.vector_store_idx %arg12[%get3A_78], %broadcast_in_dim3A_1 {add = true} : memref<10240xf32, #tpu.memory_space<vmem>>[vector<16xi32>], vector<16xf32>,
        %get3A_79 = arith.constant 224 : index
        %get3A_80 = tpu.vector_load %arg10[%get3A_79] {strides = array<i32>} : memref<512xi32, #tpu.memory_space<vmem>>, vector<16xi32>,
        tpu.vector_store_idx %arg12[%get3A_80], %broadcast_in_dim3A_1 {add = true} : memref<10240xf32, #tpu.memory_space<vmem>>[vector<16xi32>], vector<16xf32>,
        %get3A_81 = arith.constant 240 : index
        %get3A_82 = tpu.vector_load %arg10[%get3A_81] {strides = array<i32>} : memref<512xi32, #tpu.memory_space<vmem>>, vector<16xi32>,
        tpu.vector_store_idx %arg12[%get3A_82], %broadcast_in_dim3A_1 {add = true} : memref<10240xf32, #tpu.memory_space<vmem>>[vector<16xi32>], vector<16xf32>,
        %get3A_83 = arith.constant 256 : index
        %get3A_84 = tpu.vector_load %arg10[%get3A_83] {strides = array<i32>} : memref<512xi32, #tpu.memory_space<vmem>>, vector<16xi32>,
        tpu.vector_store_idx %arg12[%get3A_84], %broadcast_in_dim3A_1 {add = true} : memref<10240xf32, #tpu.memory_space<vmem>>[vector<16xi32>], vector<16xf32>,
        %get3A_85 = arith.constant 272 : index
        %get3A_86 = tpu.vector_load %arg10[%get3A_85] {strides = array<i32>} : memref<512xi32, #tpu.memory_space<vmem>>, vector<16xi32>,
        tpu.vector_store_idx %arg12[%get3A_86], %broadcast_in_dim3A_1 {add = true} : memref<10240xf32, #tpu.memory_space<vmem>>[vector<16xi32>], vector<16xf32>,
        %get3A_87 = arith.constant 288 : index
        %get3A_88 = tpu.vector_load %arg10[%get3A_87] {strides = array<i32>} : memref<512xi32, #tpu.memory_space<vmem>>, vector<16xi32>,
        tpu.vector_store_idx %arg12[%get3A_88], %broadcast_in_dim3A_1 {add = true} : memref<10240xf32, #tpu.memory_space<vmem>>[vector<16xi32>], vector<16xf32>,
        %get3A_89 = arith.constant 304 : index
        %get3A_90 = tpu.vector_load %arg10[%get3A_89] {strides = array<i32>} : memref<512xi32, #tpu.memory_space<vmem>>, vector<16xi32>,
        tpu.vector_store_idx %arg12[%get3A_90], %broadcast_in_dim3A_1 {add = true} : memref<10240xf32, #tpu.memory_space<vmem>>[vector<16xi32>], vector<16xf32>,
        %get3A_91 = arith.constant 320 : index
        %get3A_92 = tpu.vector_load %arg10[%get3A_91] {strides = array<i32>} : memref<512xi32, #tpu.memory_space<vmem>>, vector<16xi32>,
        tpu.vector_store_idx %arg12[%get3A_92], %broadcast_in_dim3A_1 {add = true} : memref<10240xf32, #tpu.memory_space<vmem>>[vector<16xi32>], vector<16xf32>,
        %get3A_93 = arith.constant 336 : index
        %get3A_94 = tpu.vector_load %arg10[%get3A_93] {strides = array<i32>} : memref<512xi32, #tpu.memory_space<vmem>>, vector<16xi32>,
        tpu.vector_store_idx %arg12[%get3A_94], %broadcast_in_dim3A_1 {add = true} : memref<10240xf32, #tpu.memory_space<vmem>>[vector<16xi32>], vector<16xf32>,
        %get3A_95 = arith.constant 352 : index
        %get3A_96 = tpu.vector_load %arg10[%get3A_95] {strides = array<i32>} : memref<512xi32, #tpu.memory_space<vmem>>, vector<16xi32>,
        tpu.vector_store_idx %arg12[%get3A_96], %broadcast_in_dim3A_1 {add = true} : memref<10240xf32, #tpu.memory_space<vmem>>[vector<16xi32>], vector<16xf32>,
        %get3A_97 = arith.constant 368 : index
        %get3A_98 = tpu.vector_load %arg10[%get3A_97] {strides = array<i32>} : memref<512xi32, #tpu.memory_space<vmem>>, vector<16xi32>,
        tpu.vector_store_idx %arg12[%get3A_98], %broadcast_in_dim3A_1 {add = true} : memref<10240xf32, #tpu.memory_space<vmem>>[vector<16xi32>], vector<16xf32>,
        %get3A_99 = arith.constant 384 : index
        %get3A_100 = tpu.vector_load %arg10[%get3A_99] {strides = array<i32>} : memref<512xi32, #tpu.memory_space<vmem>>, vector<16xi32>,
        tpu.vector_store_idx %arg12[%get3A_100], %broadcast_in_dim3A_1 {add = true} : memref<10240xf32, #tpu.memory_space<vmem>>[vector<16xi32>], vector<16xf32>,
        %get3A_101 = arith.constant 400 : index
        %get3A_102 = tpu.vector_load %arg10[%get3A_101] {strides = array<i32>} : memref<512xi32, #tpu.memory_space<vmem>>, vector<16xi32>,
        tpu.vector_store_idx %arg12[%get3A_102], %broadcast_in_dim3A_1 {add = true} : memref<10240xf32, #tpu.memory_space<vmem>>[vector<16xi32>], vector<16xf32>,
        %get3A_103 = arith.constant 416 : index
        %get3A_104 = tpu.vector_load %arg10[%get3A_103] {strides = array<i32>} : memref<512xi32, #tpu.memory_space<vmem>>, vector<16xi32>,
        tpu.vector_store_idx %arg12[%get3A_104], %broadcast_in_dim3A_1 {add = true} : memref<10240xf32, #tpu.memory_space<vmem>>[vector<16xi32>], vector<16xf32>,
        %get3A_105 = arith.constant 432 : index
        %get3A_106 = tpu.vector_load %arg10[%get3A_105] {strides = array<i32>} : memref<512xi32, #tpu.memory_space<vmem>>, vector<16xi32>,
        tpu.vector_store_idx %arg12[%get3A_106], %broadcast_in_dim3A_1 {add = true} : memref<10240xf32, #tpu.memory_space<vmem>>[vector<16xi32>], vector<16xf32>,
        %get3A_107 = arith.constant 448 : index
        %get3A_108 = tpu.vector_load %arg10[%get3A_107] {strides = array<i32>} : memref<512xi32, #tpu.memory_space<vmem>>, vector<16xi32>,
        tpu.vector_store_idx %arg12[%get3A_108], %broadcast_in_dim3A_1 {add = true} : memref<10240xf32, #tpu.memory_space<vmem>>[vector<16xi32>], vector<16xf32>,
        %get3A_109 = arith.constant 464 : index
        %get3A_110 = tpu.vector_load %arg10[%get3A_109] {strides = array<i32>} : memref<512xi32, #tpu.memory_space<vmem>>, vector<16xi32>,
        tpu.vector_store_idx %arg12[%get3A_110], %broadcast_in_dim3A_1 {add = true} : memref<10240xf32, #tpu.memory_space<vmem>>[vector<16xi32>], vector<16xf32>,
        %get3A_111 = arith.constant 480 : index
        %get3A_112 = tpu.vector_load %arg10[%get3A_111] {strides = array<i32>} : memref<512xi32, #tpu.memory_space<vmem>>, vector<16xi32>,
        tpu.vector_store_idx %arg12[%get3A_112], %broadcast_in_dim3A_1 {add = true} : memref<10240xf32, #tpu.memory_space<vmem>>[vector<16xi32>], vector<16xf32>,
        %get3A_113 = arith.constant 496 : index
        %get3A_114 = tpu.vector_load %arg10[%get3A_113] {strides = array<i32>} : memref<512xi32, #tpu.memory_space<vmem>>, vector<16xi32>,
        tpu.vector_store_idx %arg12[%get3A_114], %broadcast_in_dim3A_1 {add = true} : memref<10240xf32, #tpu.memory_space<vmem>>[vector<16xi32>], vector<16xf32>,
        %dma_wait3A = arith.constant 0 : i32
        %dma_wait3A_115 = arith.constant 0 : i32
        %dma_wait3A_116 = tpu.memref_slice %arg11[%dma_wait3A, %dma_wait3A_115] : memref<512x64xi32, #tpu.memory_space<vmem>> -> memref<128x64xi32, #tpu.memory_space<vmem>>
        %dma_wait3A_117 = arith.constant 0 : i32
        %dma_wait3A_118 = tpu.memref_slice %arg10[%dma_wait3A_117] : memref<512xi32, #tpu.memory_space<vmem>> -> memref<128xi32, #tpu.memory_space<vmem>>
        %dma_wait3A_119 = arith.constant 0 : i32
        %dma_wait3A_120 = arith.constant 0 : i32
        %dma_wait3A_121 = tpu.memref_slice %arg2[%dma_wait3A_119, %dma_wait3A_120] : memref<10000x64xi32, #tpu.memory_space<hbm>> -> memref<10000x64xi32, #tpu.memory_space<hbm>>
        tpu.wait_indirect_dma semaphore(%arg14 : memref<!tpu.dma_semaphore, #tpu.memory_space<semaphore_mem>>) src(%dma_wait3A_121 : memref<10000x64xi32, #tpu.memory_space<hbm>>) dst(%dma_wait3A_116 : memref<128x64xi32, #tpu.memory_space<vmem>>)
        %dma_wait3A_122 = arith.constant 128 : i32
        %dma_wait3A_123 = arith.constant 0 : i32
        %dma_wait3A_124 = tpu.memref_slice %arg11[%dma_wait3A_122, %dma_wait3A_123] : memref<512x64xi32, #tpu.memory_space<vmem>> -> memref<128x64xi32, #tpu.memory_space<vmem>>
        %dma_wait3A_125 = arith.constant 128 : i32
        %dma_wait3A_126 = tpu.memref_slice %arg10[%dma_wait3A_125] : memref<512xi32, #tpu.memory_space<vmem>> -> memref<128xi32, #tpu.memory_space<vmem>>
        %dma_wait3A_127 = arith.constant 0 : i32
        %dma_wait3A_128 = arith.constant 0 : i32
        %dma_wait3A_129 = tpu.memref_slice %arg2[%dma_wait3A_127, %dma_wait3A_128] : memref<10000x64xi32, #tpu.memory_space<hbm>> -> memref<10000x64xi32, #tpu.memory_space<hbm>>
        tpu.wait_indirect_dma semaphore(%arg14 : memref<!tpu.dma_semaphore, #tpu.memory_space<semaphore_mem>>) src(%dma_wait3A_129 : memref<10000x64xi32, #tpu.memory_space<hbm>>) dst(%dma_wait3A_124 : memref<128x64xi32, #tpu.memory_space<vmem>>)
        %dma_wait3A_130 = arith.constant 256 : i32
        %dma_wait3A_131 = arith.constant 0 : i32
        %dma_wait3A_132 = tpu.memref_slice %arg11[%dma_wait3A_130, %dma_wait3A_131] : memref<512x64xi32, #tpu.memory_space<vmem>> -> memref<128x64xi32, #tpu.memory_space<vmem>>
        %dma_wait3A_133 = arith.constant 256 : i32
        %dma_wait3A_134 = tpu.memref_slice %arg10[%dma_wait3A_133] : memref<512xi32, #tpu.memory_space<vmem>> -> memref<128xi32, #tpu.memory_space<vmem>>
        %dma_wait3A_135 = arith.constant 0 : i32
        %dma_wait3A_136 = arith.constant 0 : i32
        %dma_wait3A_137 = tpu.memref_slice %arg2[%dma_wait3A_135, %dma_wait3A_136] : memref<10000x64xi32, #tpu.memory_space<hbm>> -> memref<10000x64xi32, #tpu.memory_space<hbm>>
        tpu.wait_indirect_dma semaphore(%arg14 : memref<!tpu.dma_semaphore, #tpu.memory_space<semaphore_mem>>) src(%dma_wait3A_137 : memref<10000x64xi32, #tpu.memory_space<hbm>>) dst(%dma_wait3A_132 : memref<128x64xi32, #tpu.memory_space<vmem>>)
        %dma_wait3A_138 = arith.constant 384 : i32
        %dma_wait3A_139 = arith.constant 0 : i32
        %dma_wait3A_140 = tpu.memref_slice %arg11[%dma_wait3A_138, %dma_wait3A_139] : memref<512x64xi32, #tpu.memory_space<vmem>> -> memref<128x64xi32, #tpu.memory_space<vmem>>
        %dma_wait3A_141 = arith.constant 384 : i32
        %dma_wait3A_142 = tpu.memref_slice %arg10[%dma_wait3A_141] : memref<512xi32, #tpu.memory_space<vmem>> -> memref<128xi32, #tpu.memory_space<vmem>>
        %dma_wait3A_143 = arith.constant 0 : i32
        %dma_wait3A_144 = arith.constant 0 : i32
        %dma_wait3A_145 = tpu.memref_slice %arg2[%dma_wait3A_143, %dma_wait3A_144] : memref<10000x64xi32, #tpu.memory_space<hbm>> -> memref<10000x64xi32, #tpu.memory_space<hbm>>
        tpu.wait_indirect_dma semaphore(%arg14 : memref<!tpu.dma_semaphore, #tpu.memory_space<semaphore_mem>>) src(%dma_wait3A_145 : memref<10000x64xi32, #tpu.memory_space<hbm>>) dst(%dma_wait3A_140 : memref<128x64xi32, #tpu.memory_space<vmem>>)
        "tpu.region"() ({
          %run_scoped3A = tpu.sem_alloc : memref<!tpu.dma_semaphore, #tpu.memory_space<semaphore_mem>>
          %dma_start3A_146 = arith.constant 0 : i32
          %dma_start3A_147 = tpu.memref_slice %arg6[%multiple_of3A, %dma_start3A_146] : memref<320000x64xi32, #tpu.memory_space<hbm>> -> memref<512x64xi32, #tpu.memory_space<hbm>>
          %dma_start3A_148 = arith.constant 0 : i32
          %dma_start3A_149 = tpu.memref_slice %arg6[%multiple_of3A, %dma_start3A_148] : memref<320000x64xi32, #tpu.memory_space<hbm>> -> memref<512x64xi32, #tpu.memory_space<hbm>>
          tpu.enqueue_dma source(%arg11 : memref<512x64xi32, #tpu.memory_space<vmem>>) target(%dma_start3A_149 : memref<512x64xi32, #tpu.memory_space<hbm>>) target_semaphore(%run_scoped3A : memref<!tpu.dma_semaphore, #tpu.memory_space<semaphore_mem>>)
          %dma_wait3A_150 = arith.constant 0 : i32
          %dma_wait3A_151 = tpu.memref_slice %arg6[%multiple_of3A, %dma_wait3A_150] : memref<320000x64xi32, #tpu.memory_space<hbm>> -> memref<512x64xi32, #tpu.memory_space<hbm>>
          %dma_wait3A_152 = arith.constant 0 : i32
          %dma_wait3A_153 = tpu.memref_slice %arg6[%multiple_of3A, %dma_wait3A_152] : memref<320000x64xi32, #tpu.memory_space<hbm>> -> memref<512x64xi32, #tpu.memory_space<hbm>>
          tpu.wait_dma2 semaphore(%run_scoped3A : memref<!tpu.dma_semaphore, #tpu.memory_space<semaphore_mem>>) src(%arg11 : memref<512x64xi32, #tpu.memory_space<vmem>>) dst(%dma_wait3A_153 : memref<512x64xi32, #tpu.memory_space<hbm>>)
          tpu.yield
        }) : () -> ()
      } else {
      }
    }
    %scan3A_6 = arith.constant 20 : i32
    %scan3A_7 = arith.constant 0 : i32
    %scan3A_8 = arith.constant 0 : i32
    %scan3A_9 = arith.constant 20 : i32
    %scan3A_10 = arith.addi %scan3A_8, %scan3A_9 : i32
    %scan3A_11 = arith.constant 1 : i32
    scf.for %scan3A_13 = %scan3A_8 to %scan3A_10 step %scan3A_11  : i32 {
      %mul3A_14 = arith.constant 32 : i32
      %mul3A_15 = arith.muli %scan3A_13, %mul3A_14 : i32
      %add3A_16 = arith.addi %mul3A_15, %add3A : i32
      %lt3A = arith.constant 625 : i32
      %lt3A_17 = arith.cmpi slt, %add3A_16, %lt3A : i32
      %convert_element_type3A = arith.extui %lt3A_17 : i1 to i32
      %cond3A = arith.constant 0 : i32
      %cond3A_18 = arith.cmpi ne, %convert_element_type3A, %cond3A : i32
      scf.if %cond3A_18 {
        %mul3A_19 = arith.constant 512 : i32
        %mul3A_20 = arith.muli %add3A_16, %mul3A_19 : i32
        %multiple_of3A = tpu.assume_multiple %mul3A_20, 512 : i32
        "tpu.region"() ({
          %run_scoped3A = tpu.sem_alloc : memref<!tpu.dma_semaphore, #tpu.memory_space<semaphore_mem>>
          %dma_start3A_146 = tpu.memref_slice %arg4[%multiple_of3A] : memref<320000xi32, #tpu.memory_space<hbm>> -> memref<512xi32, #tpu.memory_space<hbm>>
          %dma_start3A_147 = tpu.memref_slice %arg4[%multiple_of3A] : memref<320000xi32, #tpu.memory_space<hbm>> -> memref<512xi32, #tpu.memory_space<hbm>>
          tpu.enqueue_dma source(%dma_start3A_147 : memref<512xi32, #tpu.memory_space<hbm>>) target(%arg10 : memref<512xi32, #tpu.memory_space<vmem>>) target_semaphore(%run_scoped3A : memref<!tpu.dma_semaphore, #tpu.memory_space<semaphore_mem>>)
          %dma_wait3A_148 = tpu.memref_slice %arg4[%multiple_of3A] : memref<320000xi32, #tpu.memory_space<hbm>> -> memref<512xi32, #tpu.memory_space<hbm>>
          %dma_wait3A_149 = tpu.memref_slice %arg4[%multiple_of3A] : memref<320000xi32, #tpu.memory_space<hbm>> -> memref<512xi32, #tpu.memory_space<hbm>>
          tpu.wait_dma2 semaphore(%run_scoped3A : memref<!tpu.dma_semaphore, #tpu.memory_space<semaphore_mem>>) src(%dma_wait3A_149 : memref<512xi32, #tpu.memory_space<hbm>>) dst(%arg10 : memref<512xi32, #tpu.memory_space<vmem>>)
          tpu.yield
        }) : () -> ()
        %dma_start3A = arith.constant 0 : i32
        %dma_start3A_21 = arith.constant 0 : i32
        %dma_start3A_22 = tpu.memref_slice %arg11[%dma_start3A, %dma_start3A_21] : memref<512x64xi32, #tpu.memory_space<vmem>> -> memref<128x64xi32, #tpu.memory_space<vmem>>
        %dma_start3A_23 = arith.constant 0 : i32
        %dma_start3A_24 = tpu.memref_slice %arg10[%dma_start3A_23] : memref<512xi32, #tpu.memory_space<vmem>> -> memref<128xi32, #tpu.memory_space<vmem>>
        %dma_start3A_25 = arith.constant 0 : i32
        %dma_start3A_26 = arith.constant 0 : i32
        %dma_start3A_27 = tpu.memref_slice %arg2[%dma_start3A_25, %dma_start3A_26] : memref<10000x64xi32, #tpu.memory_space<hbm>> -> memref<10000x64xi32, #tpu.memory_space<hbm>>
        tpu.enqueue_indirect_dma source(%dma_start3A_27 : memref<10000x64xi32, #tpu.memory_space<hbm>>) target(%dma_start3A_22 : memref<128x64xi32, #tpu.memory_space<vmem>>) offsets(%dma_start3A_24 : memref<128xi32, #tpu.memory_space<vmem>>) semaphore(%arg14 : memref<!tpu.dma_semaphore, #tpu.memory_space<semaphore_mem>>)
        %dma_start3A_28 = arith.constant 128 : i32
        %dma_start3A_29 = arith.constant 0 : i32
        %dma_start3A_30 = tpu.memref_slice %arg11[%dma_start3A_28, %dma_start3A_29] : memref<512x64xi32, #tpu.memory_space<vmem>> -> memref<128x64xi32, #tpu.memory_space<vmem>>
        %dma_start3A_31 = arith.constant 128 : i32
        %dma_start3A_32 = tpu.memref_slice %arg10[%dma_start3A_31] : memref<512xi32, #tpu.memory_space<vmem>> -> memref<128xi32, #tpu.memory_space<vmem>>
        %dma_start3A_33 = arith.constant 0 : i32
        %dma_start3A_34 = arith.constant 0 : i32
        %dma_start3A_35 = tpu.memref_slice %arg2[%dma_start3A_33, %dma_start3A_34] : memref<10000x64xi32, #tpu.memory_space<hbm>> -> memref<10000x64xi32, #tpu.memory_space<hbm>>
        tpu.enqueue_indirect_dma source(%dma_start3A_35 : memref<10000x64xi32, #tpu.memory_space<hbm>>) target(%dma_start3A_30 : memref<128x64xi32, #tpu.memory_space<vmem>>) offsets(%dma_start3A_32 : memref<128xi32, #tpu.memory_space<vmem>>) semaphore(%arg14 : memref<!tpu.dma_semaphore, #tpu.memory_space<semaphore_mem>>)
        %dma_start3A_36 = arith.constant 256 : i32
        %dma_start3A_37 = arith.constant 0 : i32
        %dma_start3A_38 = tpu.memref_slice %arg11[%dma_start3A_36, %dma_start3A_37] : memref<512x64xi32, #tpu.memory_space<vmem>> -> memref<128x64xi32, #tpu.memory_space<vmem>>
        %dma_start3A_39 = arith.constant 256 : i32
        %dma_start3A_40 = tpu.memref_slice %arg10[%dma_start3A_39] : memref<512xi32, #tpu.memory_space<vmem>> -> memref<128xi32, #tpu.memory_space<vmem>>
        %dma_start3A_41 = arith.constant 0 : i32
        %dma_start3A_42 = arith.constant 0 : i32
        %dma_start3A_43 = tpu.memref_slice %arg2[%dma_start3A_41, %dma_start3A_42] : memref<10000x64xi32, #tpu.memory_space<hbm>> -> memref<10000x64xi32, #tpu.memory_space<hbm>>
        tpu.enqueue_indirect_dma source(%dma_start3A_43 : memref<10000x64xi32, #tpu.memory_space<hbm>>) target(%dma_start3A_38 : memref<128x64xi32, #tpu.memory_space<vmem>>) offsets(%dma_start3A_40 : memref<128xi32, #tpu.memory_space<vmem>>) semaphore(%arg14 : memref<!tpu.dma_semaphore, #tpu.memory_space<semaphore_mem>>)
        %dma_start3A_44 = arith.constant 384 : i32
        %dma_start3A_45 = arith.constant 0 : i32
        %dma_start3A_46 = tpu.memref_slice %arg11[%dma_start3A_44, %dma_start3A_45] : memref<512x64xi32, #tpu.memory_space<vmem>> -> memref<128x64xi32, #tpu.memory_space<vmem>>
        %dma_start3A_47 = arith.constant 384 : i32
        %dma_start3A_48 = tpu.memref_slice %arg10[%dma_start3A_47] : memref<512xi32, #tpu.memory_space<vmem>> -> memref<128xi32, #tpu.memory_space<vmem>>
        %dma_start3A_49 = arith.constant 0 : i32
        %dma_start3A_50 = arith.constant 0 : i32
        %dma_start3A_51 = tpu.memref_slice %arg2[%dma_start3A_49, %dma_start3A_50] : memref<10000x64xi32, #tpu.memory_space<hbm>> -> memref<10000x64xi32, #tpu.memory_space<hbm>>
        tpu.enqueue_indirect_dma source(%dma_start3A_51 : memref<10000x64xi32, #tpu.memory_space<hbm>>) target(%dma_start3A_46 : memref<128x64xi32, #tpu.memory_space<vmem>>) offsets(%dma_start3A_48 : memref<128xi32, #tpu.memory_space<vmem>>) semaphore(%arg14 : memref<!tpu.dma_semaphore, #tpu.memory_space<semaphore_mem>>)
        %get3A = arith.constant 0 : index
        %get3A_52 = tpu.vector_load %arg10[%get3A] {strides = array<i32>} : memref<512xi32, #tpu.memory_space<vmem>>, vector<16xi32>,
        tpu.vector_store_idx %arg13[%get3A_52], %broadcast_in_dim3A_1 {add = true} : memref<10240xf32, #tpu.memory_space<vmem>>[vector<16xi32>], vector<16xf32>,
        %get3A_53 = arith.constant 16 : index
        %get3A_54 = tpu.vector_load %arg10[%get3A_53] {strides = array<i32>} : memref<512xi32, #tpu.memory_space<vmem>>, vector<16xi32>,
        tpu.vector_store_idx %arg13[%get3A_54], %broadcast_in_dim3A_1 {add = true} : memref<10240xf32, #tpu.memory_space<vmem>>[vector<16xi32>], vector<16xf32>,
        %get3A_55 = arith.constant 32 : index
        %get3A_56 = tpu.vector_load %arg10[%get3A_55] {strides = array<i32>} : memref<512xi32, #tpu.memory_space<vmem>>, vector<16xi32>,
        tpu.vector_store_idx %arg13[%get3A_56], %broadcast_in_dim3A_1 {add = true} : memref<10240xf32, #tpu.memory_space<vmem>>[vector<16xi32>], vector<16xf32>,
        %get3A_57 = arith.constant 48 : index
        %get3A_58 = tpu.vector_load %arg10[%get3A_57] {strides = array<i32>} : memref<512xi32, #tpu.memory_space<vmem>>, vector<16xi32>,
        tpu.vector_store_idx %arg13[%get3A_58], %broadcast_in_dim3A_1 {add = true} : memref<10240xf32, #tpu.memory_space<vmem>>[vector<16xi32>], vector<16xf32>,
        %get3A_59 = arith.constant 64 : index
        %get3A_60 = tpu.vector_load %arg10[%get3A_59] {strides = array<i32>} : memref<512xi32, #tpu.memory_space<vmem>>, vector<16xi32>,
        tpu.vector_store_idx %arg13[%get3A_60], %broadcast_in_dim3A_1 {add = true} : memref<10240xf32, #tpu.memory_space<vmem>>[vector<16xi32>], vector<16xf32>,
        %get3A_61 = arith.constant 80 : index
        %get3A_62 = tpu.vector_load %arg10[%get3A_61] {strides = array<i32>} : memref<512xi32, #tpu.memory_space<vmem>>, vector<16xi32>,
        tpu.vector_store_idx %arg13[%get3A_62], %broadcast_in_dim3A_1 {add = true} : memref<10240xf32, #tpu.memory_space<vmem>>[vector<16xi32>], vector<16xf32>,
        %get3A_63 = arith.constant 96 : index
        %get3A_64 = tpu.vector_load %arg10[%get3A_63] {strides = array<i32>} : memref<512xi32, #tpu.memory_space<vmem>>, vector<16xi32>,
        tpu.vector_store_idx %arg13[%get3A_64], %broadcast_in_dim3A_1 {add = true} : memref<10240xf32, #tpu.memory_space<vmem>>[vector<16xi32>], vector<16xf32>,
        %get3A_65 = arith.constant 112 : index
        %get3A_66 = tpu.vector_load %arg10[%get3A_65] {strides = array<i32>} : memref<512xi32, #tpu.memory_space<vmem>>, vector<16xi32>,
        tpu.vector_store_idx %arg13[%get3A_66], %broadcast_in_dim3A_1 {add = true} : memref<10240xf32, #tpu.memory_space<vmem>>[vector<16xi32>], vector<16xf32>,
        %get3A_67 = arith.constant 128 : index
        %get3A_68 = tpu.vector_load %arg10[%get3A_67] {strides = array<i32>} : memref<512xi32, #tpu.memory_space<vmem>>, vector<16xi32>,
        tpu.vector_store_idx %arg13[%get3A_68], %broadcast_in_dim3A_1 {add = true} : memref<10240xf32, #tpu.memory_space<vmem>>[vector<16xi32>], vector<16xf32>,
        %get3A_69 = arith.constant 144 : index
        %get3A_70 = tpu.vector_load %arg10[%get3A_69] {strides = array<i32>} : memref<512xi32, #tpu.memory_space<vmem>>, vector<16xi32>,
        tpu.vector_store_idx %arg13[%get3A_70], %broadcast_in_dim3A_1 {add = true} : memref<10240xf32, #tpu.memory_space<vmem>>[vector<16xi32>], vector<16xf32>,
        %get3A_71 = arith.constant 160 : index
        %get3A_72 = tpu.vector_load %arg10[%get3A_71] {strides = array<i32>} : memref<512xi32, #tpu.memory_space<vmem>>, vector<16xi32>,
        tpu.vector_store_idx %arg13[%get3A_72], %broadcast_in_dim3A_1 {add = true} : memref<10240xf32, #tpu.memory_space<vmem>>[vector<16xi32>], vector<16xf32>,
        %get3A_73 = arith.constant 176 : index
        %get3A_74 = tpu.vector_load %arg10[%get3A_73] {strides = array<i32>} : memref<512xi32, #tpu.memory_space<vmem>>, vector<16xi32>,
        tpu.vector_store_idx %arg13[%get3A_74], %broadcast_in_dim3A_1 {add = true} : memref<10240xf32, #tpu.memory_space<vmem>>[vector<16xi32>], vector<16xf32>,
        %get3A_75 = arith.constant 192 : index
        %get3A_76 = tpu.vector_load %arg10[%get3A_75] {strides = array<i32>} : memref<512xi32, #tpu.memory_space<vmem>>, vector<16xi32>,
        tpu.vector_store_idx %arg13[%get3A_76], %broadcast_in_dim3A_1 {add = true} : memref<10240xf32, #tpu.memory_space<vmem>>[vector<16xi32>], vector<16xf32>,
        %get3A_77 = arith.constant 208 : index
        %get3A_78 = tpu.vector_load %arg10[%get3A_77] {strides = array<i32>} : memref<512xi32, #tpu.memory_space<vmem>>, vector<16xi32>,
        tpu.vector_store_idx %arg13[%get3A_78], %broadcast_in_dim3A_1 {add = true} : memref<10240xf32, #tpu.memory_space<vmem>>[vector<16xi32>], vector<16xf32>,
        %get3A_79 = arith.constant 224 : index
        %get3A_80 = tpu.vector_load %arg10[%get3A_79] {strides = array<i32>} : memref<512xi32, #tpu.memory_space<vmem>>, vector<16xi32>,
        tpu.vector_store_idx %arg13[%get3A_80], %broadcast_in_dim3A_1 {add = true} : memref<10240xf32, #tpu.memory_space<vmem>>[vector<16xi32>], vector<16xf32>,
        %get3A_81 = arith.constant 240 : index
        %get3A_82 = tpu.vector_load %arg10[%get3A_81] {strides = array<i32>} : memref<512xi32, #tpu.memory_space<vmem>>, vector<16xi32>,
        tpu.vector_store_idx %arg13[%get3A_82], %broadcast_in_dim3A_1 {add = true} : memref<10240xf32, #tpu.memory_space<vmem>>[vector<16xi32>], vector<16xf32>,
        %get3A_83 = arith.constant 256 : index
        %get3A_84 = tpu.vector_load %arg10[%get3A_83] {strides = array<i32>} : memref<512xi32, #tpu.memory_space<vmem>>, vector<16xi32>,
        tpu.vector_store_idx %arg13[%get3A_84], %broadcast_in_dim3A_1 {add = true} : memref<10240xf32, #tpu.memory_space<vmem>>[vector<16xi32>], vector<16xf32>,
        %get3A_85 = arith.constant 272 : index
        %get3A_86 = tpu.vector_load %arg10[%get3A_85] {strides = array<i32>} : memref<512xi32, #tpu.memory_space<vmem>>, vector<16xi32>,
        tpu.vector_store_idx %arg13[%get3A_86], %broadcast_in_dim3A_1 {add = true} : memref<10240xf32, #tpu.memory_space<vmem>>[vector<16xi32>], vector<16xf32>,
        %get3A_87 = arith.constant 288 : index
        %get3A_88 = tpu.vector_load %arg10[%get3A_87] {strides = array<i32>} : memref<512xi32, #tpu.memory_space<vmem>>, vector<16xi32>,
        tpu.vector_store_idx %arg13[%get3A_88], %broadcast_in_dim3A_1 {add = true} : memref<10240xf32, #tpu.memory_space<vmem>>[vector<16xi32>], vector<16xf32>,
        %get3A_89 = arith.constant 304 : index
        %get3A_90 = tpu.vector_load %arg10[%get3A_89] {strides = array<i32>} : memref<512xi32, #tpu.memory_space<vmem>>, vector<16xi32>,
        tpu.vector_store_idx %arg13[%get3A_90], %broadcast_in_dim3A_1 {add = true} : memref<10240xf32, #tpu.memory_space<vmem>>[vector<16xi32>], vector<16xf32>,
        %get3A_91 = arith.constant 320 : index
        %get3A_92 = tpu.vector_load %arg10[%get3A_91] {strides = array<i32>} : memref<512xi32, #tpu.memory_space<vmem>>, vector<16xi32>,
        tpu.vector_store_idx %arg13[%get3A_92], %broadcast_in_dim3A_1 {add = true} : memref<10240xf32, #tpu.memory_space<vmem>>[vector<16xi32>], vector<16xf32>,
        %get3A_93 = arith.constant 336 : index
        %get3A_94 = tpu.vector_load %arg10[%get3A_93] {strides = array<i32>} : memref<512xi32, #tpu.memory_space<vmem>>, vector<16xi32>,
        tpu.vector_store_idx %arg13[%get3A_94], %broadcast_in_dim3A_1 {add = true} : memref<10240xf32, #tpu.memory_space<vmem>>[vector<16xi32>], vector<16xf32>,
        %get3A_95 = arith.constant 352 : index
        %get3A_96 = tpu.vector_load %arg10[%get3A_95] {strides = array<i32>} : memref<512xi32, #tpu.memory_space<vmem>>, vector<16xi32>,
        tpu.vector_store_idx %arg13[%get3A_96], %broadcast_in_dim3A_1 {add = true} : memref<10240xf32, #tpu.memory_space<vmem>>[vector<16xi32>], vector<16xf32>,
        %get3A_97 = arith.constant 368 : index
        %get3A_98 = tpu.vector_load %arg10[%get3A_97] {strides = array<i32>} : memref<512xi32, #tpu.memory_space<vmem>>, vector<16xi32>,
        tpu.vector_store_idx %arg13[%get3A_98], %broadcast_in_dim3A_1 {add = true} : memref<10240xf32, #tpu.memory_space<vmem>>[vector<16xi32>], vector<16xf32>,
        %get3A_99 = arith.constant 384 : index
        %get3A_100 = tpu.vector_load %arg10[%get3A_99] {strides = array<i32>} : memref<512xi32, #tpu.memory_space<vmem>>, vector<16xi32>,
        tpu.vector_store_idx %arg13[%get3A_100], %broadcast_in_dim3A_1 {add = true} : memref<10240xf32, #tpu.memory_space<vmem>>[vector<16xi32>], vector<16xf32>,
        %get3A_101 = arith.constant 400 : index
        %get3A_102 = tpu.vector_load %arg10[%get3A_101] {strides = array<i32>} : memref<512xi32, #tpu.memory_space<vmem>>, vector<16xi32>,
        tpu.vector_store_idx %arg13[%get3A_102], %broadcast_in_dim3A_1 {add = true} : memref<10240xf32, #tpu.memory_space<vmem>>[vector<16xi32>], vector<16xf32>,
        %get3A_103 = arith.constant 416 : index
        %get3A_104 = tpu.vector_load %arg10[%get3A_103] {strides = array<i32>} : memref<512xi32, #tpu.memory_space<vmem>>, vector<16xi32>,
        tpu.vector_store_idx %arg13[%get3A_104], %broadcast_in_dim3A_1 {add = true} : memref<10240xf32, #tpu.memory_space<vmem>>[vector<16xi32>], vector<16xf32>,
        %get3A_105 = arith.constant 432 : index
        %get3A_106 = tpu.vector_load %arg10[%get3A_105] {strides = array<i32>} : memref<512xi32, #tpu.memory_space<vmem>>, vector<16xi32>,
        tpu.vector_store_idx %arg13[%get3A_106], %broadcast_in_dim3A_1 {add = true} : memref<10240xf32, #tpu.memory_space<vmem>>[vector<16xi32>], vector<16xf32>,
        %get3A_107 = arith.constant 448 : index
        %get3A_108 = tpu.vector_load %arg10[%get3A_107] {strides = array<i32>} : memref<512xi32, #tpu.memory_space<vmem>>, vector<16xi32>,
        tpu.vector_store_idx %arg13[%get3A_108], %broadcast_in_dim3A_1 {add = true} : memref<10240xf32, #tpu.memory_space<vmem>>[vector<16xi32>], vector<16xf32>,
        %get3A_109 = arith.constant 464 : index
        %get3A_110 = tpu.vector_load %arg10[%get3A_109] {strides = array<i32>} : memref<512xi32, #tpu.memory_space<vmem>>, vector<16xi32>,
        tpu.vector_store_idx %arg13[%get3A_110], %broadcast_in_dim3A_1 {add = true} : memref<10240xf32, #tpu.memory_space<vmem>>[vector<16xi32>], vector<16xf32>,
        %get3A_111 = arith.constant 480 : index
        %get3A_112 = tpu.vector_load %arg10[%get3A_111] {strides = array<i32>} : memref<512xi32, #tpu.memory_space<vmem>>, vector<16xi32>,
        tpu.vector_store_idx %arg13[%get3A_112], %broadcast_in_dim3A_1 {add = true} : memref<10240xf32, #tpu.memory_space<vmem>>[vector<16xi32>], vector<16xf32>,
        %get3A_113 = arith.constant 496 : index
        %get3A_114 = tpu.vector_load %arg10[%get3A_113] {strides = array<i32>} : memref<512xi32, #tpu.memory_space<vmem>>, vector<16xi32>,
        tpu.vector_store_idx %arg13[%get3A_114], %broadcast_in_dim3A_1 {add = true} : memref<10240xf32, #tpu.memory_space<vmem>>[vector<16xi32>], vector<16xf32>,
        %dma_wait3A = arith.constant 0 : i32
        %dma_wait3A_115 = arith.constant 0 : i32
        %dma_wait3A_116 = tpu.memref_slice %arg11[%dma_wait3A, %dma_wait3A_115] : memref<512x64xi32, #tpu.memory_space<vmem>> -> memref<128x64xi32, #tpu.memory_space<vmem>>
        %dma_wait3A_117 = arith.constant 0 : i32
        %dma_wait3A_118 = tpu.memref_slice %arg10[%dma_wait3A_117] : memref<512xi32, #tpu.memory_space<vmem>> -> memref<128xi32, #tpu.memory_space<vmem>>
        %dma_wait3A_119 = arith.constant 0 : i32
        %dma_wait3A_120 = arith.constant 0 : i32
        %dma_wait3A_121 = tpu.memref_slice %arg2[%dma_wait3A_119, %dma_wait3A_120] : memref<10000x64xi32, #tpu.memory_space<hbm>> -> memref<10000x64xi32, #tpu.memory_space<hbm>>
        tpu.wait_indirect_dma semaphore(%arg14 : memref<!tpu.dma_semaphore, #tpu.memory_space<semaphore_mem>>) src(%dma_wait3A_121 : memref<10000x64xi32, #tpu.memory_space<hbm>>) dst(%dma_wait3A_116 : memref<128x64xi32, #tpu.memory_space<vmem>>)
        %dma_wait3A_122 = arith.constant 128 : i32
        %dma_wait3A_123 = arith.constant 0 : i32
        %dma_wait3A_124 = tpu.memref_slice %arg11[%dma_wait3A_122, %dma_wait3A_123] : memref<512x64xi32, #tpu.memory_space<vmem>> -> memref<128x64xi32, #tpu.memory_space<vmem>>
        %dma_wait3A_125 = arith.constant 128 : i32
        %dma_wait3A_126 = tpu.memref_slice %arg10[%dma_wait3A_125] : memref<512xi32, #tpu.memory_space<vmem>> -> memref<128xi32, #tpu.memory_space<vmem>>
        %dma_wait3A_127 = arith.constant 0 : i32
        %dma_wait3A_128 = arith.constant 0 : i32
        %dma_wait3A_129 = tpu.memref_slice %arg2[%dma_wait3A_127, %dma_wait3A_128] : memref<10000x64xi32, #tpu.memory_space<hbm>> -> memref<10000x64xi32, #tpu.memory_space<hbm>>
        tpu.wait_indirect_dma semaphore(%arg14 : memref<!tpu.dma_semaphore, #tpu.memory_space<semaphore_mem>>) src(%dma_wait3A_129 : memref<10000x64xi32, #tpu.memory_space<hbm>>) dst(%dma_wait3A_124 : memref<128x64xi32, #tpu.memory_space<vmem>>)
        %dma_wait3A_130 = arith.constant 256 : i32
        %dma_wait3A_131 = arith.constant 0 : i32
        %dma_wait3A_132 = tpu.memref_slice %arg11[%dma_wait3A_130, %dma_wait3A_131] : memref<512x64xi32, #tpu.memory_space<vmem>> -> memref<128x64xi32, #tpu.memory_space<vmem>>
        %dma_wait3A_133 = arith.constant 256 : i32
        %dma_wait3A_134 = tpu.memref_slice %arg10[%dma_wait3A_133] : memref<512xi32, #tpu.memory_space<vmem>> -> memref<128xi32, #tpu.memory_space<vmem>>
        %dma_wait3A_135 = arith.constant 0 : i32
        %dma_wait3A_136 = arith.constant 0 : i32
        %dma_wait3A_137 = tpu.memref_slice %arg2[%dma_wait3A_135, %dma_wait3A_136] : memref<10000x64xi32, #tpu.memory_space<hbm>> -> memref<10000x64xi32, #tpu.memory_space<hbm>>
        tpu.wait_indirect_dma semaphore(%arg14 : memref<!tpu.dma_semaphore, #tpu.memory_space<semaphore_mem>>) src(%dma_wait3A_137 : memref<10000x64xi32, #tpu.memory_space<hbm>>) dst(%dma_wait3A_132 : memref<128x64xi32, #tpu.memory_space<vmem>>)
        %dma_wait3A_138 = arith.constant 384 : i32
        %dma_wait3A_139 = arith.constant 0 : i32
        %dma_wait3A_140 = tpu.memref_slice %arg11[%dma_wait3A_138, %dma_wait3A_139] : memref<512x64xi32, #tpu.memory_space<vmem>> -> memref<128x64xi32, #tpu.memory_space<vmem>>
        %dma_wait3A_141 = arith.constant 384 : i32
        %dma_wait3A_142 = tpu.memref_slice %arg10[%dma_wait3A_141] : memref<512xi32, #tpu.memory_space<vmem>> -> memref<128xi32, #tpu.memory_space<vmem>>
        %dma_wait3A_143 = arith.constant 0 : i32
        %dma_wait3A_144 = arith.constant 0 : i32
        %dma_wait3A_145 = tpu.memref_slice %arg2[%dma_wait3A_143, %dma_wait3A_144] : memref<10000x64xi32, #tpu.memory_space<hbm>> -> memref<10000x64xi32, #tpu.memory_space<hbm>>
        tpu.wait_indirect_dma semaphore(%arg14 : memref<!tpu.dma_semaphore, #tpu.memory_space<semaphore_mem>>) src(%dma_wait3A_145 : memref<10000x64xi32, #tpu.memory_space<hbm>>) dst(%dma_wait3A_140 : memref<128x64xi32, #tpu.memory_space<vmem>>)
        "tpu.region"() ({
          %run_scoped3A = tpu.sem_alloc : memref<!tpu.dma_semaphore, #tpu.memory_space<semaphore_mem>>
          %dma_start3A_146 = arith.constant 0 : i32
          %dma_start3A_147 = tpu.memref_slice %arg7[%multiple_of3A, %dma_start3A_146] : memref<320000x64xi32, #tpu.memory_space<hbm>> -> memref<512x64xi32, #tpu.memory_space<hbm>>
          %dma_start3A_148 = arith.constant 0 : i32
          %dma_start3A_149 = tpu.memref_slice %arg7[%multiple_of3A, %dma_start3A_148] : memref<320000x64xi32, #tpu.memory_space<hbm>> -> memref<512x64xi32, #tpu.memory_space<hbm>>
          tpu.enqueue_dma source(%arg11 : memref<512x64xi32, #tpu.memory_space<vmem>>) target(%dma_start3A_149 : memref<512x64xi32, #tpu.memory_space<hbm>>) target_semaphore(%run_scoped3A : memref<!tpu.dma_semaphore, #tpu.memory_space<semaphore_mem>>)
          %dma_wait3A_150 = arith.constant 0 : i32
          %dma_wait3A_151 = tpu.memref_slice %arg7[%multiple_of3A, %dma_wait3A_150] : memref<320000x64xi32, #tpu.memory_space<hbm>> -> memref<512x64xi32, #tpu.memory_space<hbm>>
          %dma_wait3A_152 = arith.constant 0 : i32
          %dma_wait3A_153 = tpu.memref_slice %arg7[%multiple_of3A, %dma_wait3A_152] : memref<320000x64xi32, #tpu.memory_space<hbm>> -> memref<512x64xi32, #tpu.memory_space<hbm>>
          tpu.wait_dma2 semaphore(%run_scoped3A : memref<!tpu.dma_semaphore, #tpu.memory_space<semaphore_mem>>) src(%arg11 : memref<512x64xi32, #tpu.memory_space<vmem>>) dst(%dma_wait3A_153 : memref<512x64xi32, #tpu.memory_space<hbm>>)
          tpu.yield
        }) : () -> ()
      } else {
      }
    }
    %scan3A_12 = arith.constant 20 : i32
    "tpu.region"() ({
      %run_scoped3A = tpu.sem_alloc : memref<!tpu.dma_semaphore, #tpu.memory_space<semaphore_mem>>
      %dma_start3A = arith.constant 0 : i32
      %dma_start3A_13 = tpu.memref_slice %arg8[%add3A, %dma_start3A] : memref<32x10240xf32, #tpu.memory_space<hbm>> -> memref<1x10240xf32, #tpu.memory_space<hbm>>
      %dma_start3A_14 = tpu.memref_squeeze %dma_start3A_13 : memref<1x10240xf32, #tpu.memory_space<hbm>> -> memref<10240xf32, #tpu.memory_space<hbm>>
      %dma_start3A_15 = arith.constant 0 : i32
      %dma_start3A_16 = tpu.memref_slice %arg8[%add3A, %dma_start3A_15] : memref<32x10240xf32, #tpu.memory_space<hbm>> -> memref<1x10240xf32, #tpu.memory_space<hbm>>
      %dma_start3A_17 = tpu.memref_squeeze %dma_start3A_16 : memref<1x10240xf32, #tpu.memory_space<hbm>> -> memref<10240xf32, #tpu.memory_space<hbm>>
      tpu.enqueue_dma source(%arg12 : memref<10240xf32, #tpu.memory_space<vmem>>) target(%dma_start3A_17 : memref<10240xf32, #tpu.memory_space<hbm>>) target_semaphore(%run_scoped3A : memref<!tpu.dma_semaphore, #tpu.memory_space<semaphore_mem>>)
      %dma_wait3A = arith.constant 0 : i32
      %dma_wait3A_18 = tpu.memref_slice %arg8[%add3A, %dma_wait3A] : memref<32x10240xf32, #tpu.memory_space<hbm>> -> memref<1x10240xf32, #tpu.memory_space<hbm>>
      %dma_wait3A_19 = tpu.memref_squeeze %dma_wait3A_18 : memref<1x10240xf32, #tpu.memory_space<hbm>> -> memref<10240xf32, #tpu.memory_space<hbm>>
      %dma_wait3A_20 = arith.constant 0 : i32
      %dma_wait3A_21 = tpu.memref_slice %arg8[%add3A, %dma_wait3A_20] : memref<32x10240xf32, #tpu.memory_space<hbm>> -> memref<1x10240xf32, #tpu.memory_space<hbm>>
      %dma_wait3A_22 = tpu.memref_squeeze %dma_wait3A_21 : memref<1x10240xf32, #tpu.memory_space<hbm>> -> memref<10240xf32, #tpu.memory_space<hbm>>
      tpu.wait_dma2 semaphore(%run_scoped3A : memref<!tpu.dma_semaphore, #tpu.memory_space<semaphore_mem>>) src(%arg12 : memref<10240xf32, #tpu.memory_space<vmem>>) dst(%dma_wait3A_22 : memref<10240xf32, #tpu.memory_space<hbm>>)
      tpu.yield
    }) : () -> ()
    "tpu.region"() ({
      %run_scoped3A = tpu.sem_alloc : memref<!tpu.dma_semaphore, #tpu.memory_space<semaphore_mem>>
      %dma_start3A = arith.constant 0 : i32
      %dma_start3A_13 = tpu.memref_slice %arg9[%add3A, %dma_start3A] : memref<32x10240xf32, #tpu.memory_space<hbm>> -> memref<1x10240xf32, #tpu.memory_space<hbm>>
      %dma_start3A_14 = tpu.memref_squeeze %dma_start3A_13 : memref<1x10240xf32, #tpu.memory_space<hbm>> -> memref<10240xf32, #tpu.memory_space<hbm>>
      %dma_start3A_15 = arith.constant 0 : i32
      %dma_start3A_16 = tpu.memref_slice %arg9[%add3A, %dma_start3A_15] : memref<32x10240xf32, #tpu.memory_space<hbm>> -> memref<1x10240xf32, #tpu.memory_space<hbm>>
      %dma_start3A_17 = tpu.memref_squeeze %dma_start3A_16 : memref<1x10240xf32, #tpu.memory_space<hbm>> -> memref<10240xf32, #tpu.memory_space<hbm>>
      tpu.enqueue_dma source(%arg13 : memref<10240xf32, #tpu.memory_space<vmem>>) target(%dma_start3A_17 : memref<10240xf32, #tpu.memory_space<hbm>>) target_semaphore(%run_scoped3A : memref<!tpu.dma_semaphore, #tpu.memory_space<semaphore_mem>>)
      %dma_wait3A = arith.constant 0 : i32
      %dma_wait3A_18 = tpu.memref_slice %arg9[%add3A, %dma_wait3A] : memref<32x10240xf32, #tpu.memory_space<hbm>> -> memref<1x10240xf32, #tpu.memory_space<hbm>>
      %dma_wait3A_19 = tpu.memref_squeeze %dma_wait3A_18 : memref<1x10240xf32, #tpu.memory_space<hbm>> -> memref<10240xf32, #tpu.memory_space<hbm>>
      %dma_wait3A_20 = arith.constant 0 : i32
      %dma_wait3A_21 = tpu.memref_slice %arg9[%add3A, %dma_wait3A_20] : memref<32x10240xf32, #tpu.memory_space<hbm>> -> memref<1x10240xf32, #tpu.memory_space<hbm>>
      %dma_wait3A_22 = tpu.memref_squeeze %dma_wait3A_21 : memref<1x10240xf32, #tpu.memory_space<hbm>> -> memref<10240xf32, #tpu.memory_space<hbm>>
      tpu.wait_dma2 semaphore(%run_scoped3A : memref<!tpu.dma_semaphore, #tpu.memory_space<semaphore_mem>>) src(%arg13 : memref<10240xf32, #tpu.memory_space<vmem>>) dst(%dma_wait3A_22 : memref<10240xf32, #tpu.memory_space<hbm>>)
      tpu.yield
    }) : () -> ()
    return
  }
}

module attributes {stable_mosaic.version = 14 : i64} {
  func.func @body(%arg0: i32, %arg1: memref<512x64xi32, #tpu.memory_space<vmem>>, %arg2: memref<512x64xi32, #tpu.memory_space<vmem>>, %arg3: memref<512x128xf32, #tpu.memory_space<vmem>>, %arg4: memref<256x128xf32, #tpu.memory_space<vmem>>, %arg5: memref<128x128xf32, #tpu.memory_space<vmem>>, %arg6: memref<1x128xf32, #tpu.memory_space<vmem>>, %arg7: memref<128x128xf32, #tpu.memory_space<vmem>>, %arg8: memref<1x128xf32, #tpu.memory_space<vmem>>, %arg9: memref<512x128xf32, #tpu.memory_space<vmem>>) attributes {dimension_semantics = [#tpu.dimension_semantics<arbitrary>], iteration_bounds = array<i64: 625>, scalar_prefetch = 0 : i64, scratch_operands = 0 : i64, tpu.core_type = #tpu.core_type<tc>, window_params = [{transform_indices = @transform_0, window_bounds = array<i64: 512, 64>}, {transform_indices = @transform_1, window_bounds = array<i64: 512, 64>}, {transform_indices = @transform_2, window_bounds = array<i64: 512, 128>}, {pipeline_mode = #tpu.pipeline_mode<synchronous>, transform_indices = @transform_3, window_bounds = array<i64: 256, 128>}, {pipeline_mode = #tpu.pipeline_mode<synchronous>, transform_indices = @transform_4, window_bounds = array<i64: 128, 128>}, {pipeline_mode = #tpu.pipeline_mode<synchronous>, transform_indices = @transform_5, window_bounds = array<i64: 1, 128>}, {pipeline_mode = #tpu.pipeline_mode<synchronous>, transform_indices = @transform_6, window_bounds = array<i64: 128, 128>}, {pipeline_mode = #tpu.pipeline_mode<synchronous>, transform_indices = @transform_7, window_bounds = array<i64: 1, 128>}, {transform_indices = @transform_8, window_bounds = array<i64: 512, 128>}]} {
    %get3A = arith.constant 0 : index
    %get3A_0 = arith.constant 0 : index
    %get3A_1 = vector.load %arg4[%get3A, %get3A_0] : memref<256x128xf32, #tpu.memory_space<vmem>>, vector<256x128xf32>
    %get3A_2 = arith.constant 0 : index
    %get3A_3 = arith.constant 0 : index
    %get3A_4 = vector.load %arg1[%get3A_2, %get3A_3] : memref<512x64xi32, #tpu.memory_space<vmem>>, vector<512x64xi32>
    %shift_left3A = arith.constant 16 : i32
    %shift_left3A_5 = vector.broadcast %shift_left3A : i32 to vector<512x64xi32>
    %shift_left3A_6 = arith.shli %get3A_4, %shift_left3A_5 : vector<512x64xi32>
    %bitcast_convert_type3A = tpu.bitcast %shift_left3A_6 : vector<512x64xi32> -> vector<512x64xf32>
    %and3A = arith.constant -65536 : i32
    %and3A_7 = vector.broadcast %and3A : i32 to vector<512x64xi32>
    %and3A_8 = arith.andi %get3A_4, %and3A_7 : vector<512x64xi32>
    %bitcast_convert_type3A_9 = tpu.bitcast %and3A_8 : vector<512x64xi32> -> vector<512x64xf32>
    %get3A_10 = arith.constant 0 : index
    %get3A_11 = arith.constant 0 : index
    %get3A_12 = vector.load %arg2[%get3A_10, %get3A_11] : memref<512x64xi32, #tpu.memory_space<vmem>>, vector<512x64xi32>
    %shift_left3A_13 = arith.constant 16 : i32
    %shift_left3A_14 = vector.broadcast %shift_left3A_13 : i32 to vector<512x64xi32>
    %shift_left3A_15 = arith.shli %get3A_12, %shift_left3A_14 : vector<512x64xi32>
    %bitcast_convert_type3A_16 = tpu.bitcast %shift_left3A_15 : vector<512x64xi32> -> vector<512x64xf32>
    %and3A_17 = arith.constant -65536 : i32
    %and3A_18 = vector.broadcast %and3A_17 : i32 to vector<512x64xi32>
    %and3A_19 = arith.andi %get3A_12, %and3A_18 : vector<512x64xi32>
    %bitcast_convert_type3A_20 = tpu.bitcast %and3A_19 : vector<512x64xi32> -> vector<512x64xf32>
    %slice3A = vector.extract_strided_slice %get3A_1 {offsets = [0, 0], sizes = [64, 128], strides = [1, 1]} : vector<256x128xf32> to vector<64x128xf32>
    %dot_general3A = arith.constant dense<0.000000e+00> : vector<512x128xf32>
    %dot_general3A_21 = tpu.matmul %bitcast_convert_type3A, %slice3A, %dot_general3A {dimension_numbers = #tpu.dot_dimension_numbers<[1], [0], [0], [1], [0, 0, 1, 1], [], []>, transpose_lhs_hint = false} : vector<512x64xf32>, vector<64x128xf32>, vector<512x128xf32> -> vector<512x128xf32>
    %slice3A_22 = vector.extract_strided_slice %get3A_1 {offsets = [64, 0], sizes = [64, 128], strides = [1, 1]} : vector<256x128xf32> to vector<64x128xf32>
    %dot_general3A_23 = arith.constant dense<0.000000e+00> : vector<512x128xf32>
    %dot_general3A_24 = tpu.matmul %bitcast_convert_type3A_9, %slice3A_22, %dot_general3A_23 {dimension_numbers = #tpu.dot_dimension_numbers<[1], [0], [0], [1], [0, 0, 1, 1], [], []>, transpose_lhs_hint = false} : vector<512x64xf32>, vector<64x128xf32>, vector<512x128xf32> -> vector<512x128xf32>
    %add3A = arith.addf %dot_general3A_21, %dot_general3A_24 : vector<512x128xf32>
    %slice3A_25 = vector.extract_strided_slice %get3A_1 {offsets = [128, 0], sizes = [64, 128], strides = [1, 1]} : vector<256x128xf32> to vector<64x128xf32>
    %dot_general3A_26 = arith.constant dense<0.000000e+00> : vector<512x128xf32>
    %dot_general3A_27 = tpu.matmul %bitcast_convert_type3A_16, %slice3A_25, %dot_general3A_26 {dimension_numbers = #tpu.dot_dimension_numbers<[1], [0], [0], [1], [0, 0, 1, 1], [], []>, transpose_lhs_hint = false} : vector<512x64xf32>, vector<64x128xf32>, vector<512x128xf32> -> vector<512x128xf32>
    %add3A_28 = arith.addf %add3A, %dot_general3A_27 : vector<512x128xf32>
    %slice3A_29 = vector.extract_strided_slice %get3A_1 {offsets = [192, 0], sizes = [64, 128], strides = [1, 1]} : vector<256x128xf32> to vector<64x128xf32>
    %dot_general3A_30 = arith.constant dense<0.000000e+00> : vector<512x128xf32>
    %dot_general3A_31 = tpu.matmul %bitcast_convert_type3A_20, %slice3A_29, %dot_general3A_30 {dimension_numbers = #tpu.dot_dimension_numbers<[1], [0], [0], [1], [0, 0, 1, 1], [], []>, transpose_lhs_hint = false} : vector<512x64xf32>, vector<64x128xf32>, vector<512x128xf32> -> vector<512x128xf32>
    %add3A_32 = arith.addf %add3A_28, %dot_general3A_31 : vector<512x128xf32>
    %get3A_33 = arith.constant 0 : index
    %get3A_34 = arith.constant 0 : index
    %get3A_35 = vector.load %arg3[%get3A_33, %get3A_34] : memref<512x128xf32, #tpu.memory_space<vmem>>, vector<512x128xf32>
    %get3A_36 = arith.constant 0 : index
    %get3A_37 = arith.constant 0 : index
    %get3A_38 = vector.load %arg5[%get3A_36, %get3A_37] : memref<128x128xf32, #tpu.memory_space<vmem>>, vector<128x128xf32>
    %dot_general3A_39 = arith.constant dense<0.000000e+00> : vector<512x128xf32>
    %dot_general3A_40 = tpu.matmul %get3A_35, %get3A_38, %dot_general3A_39 {dimension_numbers = #tpu.dot_dimension_numbers<[1], [0], [0], [1], [0, 0, 1, 1], [], []>, transpose_lhs_hint = false} : vector<512x128xf32>, vector<128x128xf32>, vector<512x128xf32> -> vector<512x128xf32>
    %add3A_41 = arith.addf %add3A_32, %dot_general3A_40 : vector<512x128xf32>
    %get3A_42 = arith.constant 0 : index
    %get3A_43 = arith.constant 0 : index
    %get3A_44 = vector.load %arg6[%get3A_42, %get3A_43] : memref<1x128xf32, #tpu.memory_space<vmem>>, vector<1x128xf32>
    %add3A_45 = vector.broadcast %get3A_44 : vector<1x128xf32> to vector<512x128xf32>
    %add3A_46 = arith.addf %add3A_41, %add3A_45 : vector<512x128xf32>
    %neg3A = arith.constant 0.000000e+00 : f32
    %neg3A_47 = vector.broadcast %neg3A : f32 to vector<512x128xf32>
    %neg3A_48 = arith.subf %neg3A_47, %add3A_46 : vector<512x128xf32>
    %exp3A = math.exp %neg3A_48 : vector<512x128xf32>
    %add3A_49 = arith.constant 1.000000e+00 : f32
    %add3A_50 = vector.broadcast %add3A_49 : f32 to vector<512x128xf32>
    %add3A_51 = arith.addf %add3A_50, %exp3A : vector<512x128xf32>
    %div3A = arith.constant 1.000000e+00 : f32
    %div3A_52 = vector.broadcast %div3A : f32 to vector<512x128xf32>
    %div3A_53 = arith.divf %div3A_52, %add3A_51 : vector<512x128xf32>
    %mul3A = arith.mulf %add3A_46, %div3A_53 : vector<512x128xf32>
    %get3A_54 = arith.constant 0 : index
    %get3A_55 = arith.constant 0 : index
    %get3A_56 = vector.load %arg7[%get3A_54, %get3A_55] : memref<128x128xf32, #tpu.memory_space<vmem>>, vector<128x128xf32>
    %dot_general3A_57 = arith.constant dense<0.000000e+00> : vector<512x128xf32>
    %dot_general3A_58 = tpu.matmul %mul3A, %get3A_56, %dot_general3A_57 {dimension_numbers = #tpu.dot_dimension_numbers<[1], [0], [0], [1], [0, 0, 1, 1], [], []>, transpose_lhs_hint = false} : vector<512x128xf32>, vector<128x128xf32>, vector<512x128xf32> -> vector<512x128xf32>
    %get3A_59 = arith.constant 0 : index
    %get3A_60 = arith.constant 0 : index
    %get3A_61 = vector.load %arg8[%get3A_59, %get3A_60] : memref<1x128xf32, #tpu.memory_space<vmem>>, vector<1x128xf32>
    %add3A_62 = vector.broadcast %get3A_61 : vector<1x128xf32> to vector<512x128xf32>
    %add3A_63 = arith.addf %dot_general3A_58, %add3A_62 : vector<512x128xf32>
    %swap3A = arith.constant 0 : index
    %swap3A_64 = arith.constant 0 : index
    %swap3A_65 = vector.load %arg9[%swap3A, %swap3A_64] : memref<512x128xf32, #tpu.memory_space<vmem>>, vector<512x128xf32>
    tpu.vector_store %arg9[%swap3A, %swap3A_64], %add3A_63 {strides = array<i32>} : memref<512x128xf32, #tpu.memory_space<vmem>>, vector<512x128xf32>,
    return
  }
  func.func @transform_0(%arg0: i32) -> (i32, i32) {
    %c0_i32 = arith.constant 0 : i32
    %c0_i32_0 = arith.constant 0 : i32
    return %arg0, %c0_i32 : i32, i32
  }
  func.func @transform_1(%arg0: i32) -> (i32, i32) {
    %c0_i32 = arith.constant 0 : i32
    %c0_i32_0 = arith.constant 0 : i32
    return %arg0, %c0_i32 : i32, i32
  }
  func.func @transform_2(%arg0: i32) -> (i32, i32) {
    %c0_i32 = arith.constant 0 : i32
    %c0_i32_0 = arith.constant 0 : i32
    return %arg0, %c0_i32 : i32, i32
  }
  func.func @transform_3(%arg0: i32) -> (i32, i32) {
    %c0_i32 = arith.constant 0 : i32
    %c0_i32_0 = arith.constant 0 : i32
    %c0_i32_1 = arith.constant 0 : i32
    return %c0_i32, %c0_i32_0 : i32, i32
  }
  func.func @transform_4(%arg0: i32) -> (i32, i32) {
    %c0_i32 = arith.constant 0 : i32
    %c0_i32_0 = arith.constant 0 : i32
    %c0_i32_1 = arith.constant 0 : i32
    return %c0_i32, %c0_i32_0 : i32, i32
  }
  func.func @transform_5(%arg0: i32) -> (i32, i32) {
    %c0_i32 = arith.constant 0 : i32
    %c0_i32_0 = arith.constant 0 : i32
    %c0_i32_1 = arith.constant 0 : i32
    return %c0_i32, %c0_i32_0 : i32, i32
  }
  func.func @transform_6(%arg0: i32) -> (i32, i32) {
    %c0_i32 = arith.constant 0 : i32
    %c0_i32_0 = arith.constant 0 : i32
    %c0_i32_1 = arith.constant 0 : i32
    return %c0_i32, %c0_i32_0 : i32, i32
  }
  func.func @transform_7(%arg0: i32) -> (i32, i32) {
    %c0_i32 = arith.constant 0 : i32
    %c0_i32_0 = arith.constant 0 : i32
    %c0_i32_1 = arith.constant 0 : i32
    return %c0_i32, %c0_i32_0 : i32, i32
  }
  func.func @transform_8(%arg0: i32) -> (i32, i32) {
    %c0_i32 = arith.constant 0 : i32
    %c0_i32_0 = arith.constant 0 : i32
    return %arg0, %c0_i32 : i32, i32
  }
}

module attributes {stable_mosaic.version = 14 : i64} {
  func.func @body(%arg0: i32, %arg1: memref<1024x128xf32, #tpu.memory_space<vmem>>, %arg2: memref<2x1024x64xf32, #tpu.memory_space<vmem>>, %arg3: memref<32x1024xf32, #tpu.memory_space<vmem>>, %arg4: memref<32x1024xf32, #tpu.memory_space<vmem>>, %arg5: memref<256x128xf32, #tpu.memory_space<vmem>>, %arg6: memref<1x128xf32, #tpu.memory_space<vmem>>, %arg7: memref<128x128xf32, #tpu.memory_space<vmem>>, %arg8: memref<1x128xf32, #tpu.memory_space<vmem>>, %arg9: memref<1024x128xf32, #tpu.memory_space<vmem>>) attributes {dimension_semantics = [#tpu.dimension_semantics<arbitrary>], iteration_bounds = array<i64: 10>, scalar_prefetch = 0 : i64, scratch_operands = 0 : i64, tpu.core_type = #tpu.core_type<tc>, window_params = [{transform_indices = @transform_0, window_bounds = array<i64: 1024, 128>}, {transform_indices = @transform_1, window_bounds = array<i64: 2, 1024, 64>}, {transform_indices = @transform_2, window_bounds = array<i64: 32, 1024>}, {transform_indices = @transform_3, window_bounds = array<i64: 32, 1024>}, {pipeline_mode = #tpu.pipeline_mode<synchronous>, transform_indices = @transform_4, window_bounds = array<i64: 256, 128>}, {pipeline_mode = #tpu.pipeline_mode<synchronous>, transform_indices = @transform_5, window_bounds = array<i64: 1, 128>}, {pipeline_mode = #tpu.pipeline_mode<synchronous>, transform_indices = @transform_6, window_bounds = array<i64: 128, 128>}, {pipeline_mode = #tpu.pipeline_mode<synchronous>, transform_indices = @transform_7, window_bounds = array<i64: 1, 128>}, {transform_indices = @transform_8, window_bounds = array<i64: 1024, 128>}]} {
    %get3A = arith.constant 0 : index
    %get3A_0 = arith.constant 0 : index
    %get3A_1 = arith.constant 0 : index
    %get3A_2 = vector.load %arg2[%get3A, %get3A_0, %get3A_1] : memref<2x1024x64xf32, #tpu.memory_space<vmem>>, vector<1x1024x64xf32>
    %get3A_3 = vector.shape_cast %get3A_2 : vector<1x1024x64xf32> to vector<1024x64xf32>
    %get3A_4 = arith.constant 1 : index
    %get3A_5 = arith.constant 0 : index
    %get3A_6 = arith.constant 0 : index
    %get3A_7 = vector.load %arg2[%get3A_4, %get3A_5, %get3A_6] : memref<2x1024x64xf32, #tpu.memory_space<vmem>>, vector<1x1024x64xf32>
    %get3A_8 = vector.shape_cast %get3A_7 : vector<1x1024x64xf32> to vector<1024x64xf32>
    %get3A_9 = arith.constant 0 : index
    %get3A_10 = arith.constant 0 : index
    %get3A_11 = vector.load %arg3[%get3A_9, %get3A_10] : memref<32x1024xf32, #tpu.memory_space<vmem>>, vector<32x1024xf32>
    %reduce_sum3A = arith.constant dense<0.000000e+00> : vector<1024xf32>
    %reduce_sum3A_12 = vector.multi_reduction <add>, %get3A_11, %reduce_sum3A [0] : vector<32x1024xf32> to vector<1024xf32>
    %broadcast_in_dim3A = vector.shape_cast %reduce_sum3A_12 : vector<1024xf32> to vector<1024x1xf32>
    %get3A_13 = arith.constant 0 : index
    %get3A_14 = arith.constant 0 : index
    %get3A_15 = vector.load %arg4[%get3A_13, %get3A_14] : memref<32x1024xf32, #tpu.memory_space<vmem>>, vector<32x1024xf32>
    %reduce_sum3A_16 = arith.constant dense<0.000000e+00> : vector<1024xf32>
    %reduce_sum3A_17 = vector.multi_reduction <add>, %get3A_15, %reduce_sum3A_16 [0] : vector<32x1024xf32> to vector<1024xf32>
    %broadcast_in_dim3A_18 = vector.shape_cast %reduce_sum3A_17 : vector<1024xf32> to vector<1024x1xf32>
    %max3A = arith.constant 1.000000e+00 : f32
    %max3A_19 = vector.broadcast %max3A : f32 to vector<1024x1xf32>
    %max3A_20 = arith.maximumf %broadcast_in_dim3A, %max3A_19 : vector<1024x1xf32>
    %div3A = vector.broadcast %max3A_20 : vector<1024x1xf32> to vector<1024x64xf32>
    %div3A_21 = arith.divf %get3A_3, %div3A : vector<1024x64xf32>
    %max3A_22 = arith.constant 1.000000e+00 : f32
    %max3A_23 = vector.broadcast %max3A_22 : f32 to vector<1024x1xf32>
    %max3A_24 = arith.maximumf %broadcast_in_dim3A_18, %max3A_23 : vector<1024x1xf32>
    %div3A_25 = vector.broadcast %max3A_24 : vector<1024x1xf32> to vector<1024x64xf32>
    %div3A_26 = arith.divf %get3A_8, %div3A_25 : vector<1024x64xf32>
    %get3A_27 = arith.constant 0 : index
    %get3A_28 = arith.constant 0 : index
    %get3A_29 = vector.load %arg1[%get3A_27, %get3A_28] : memref<1024x128xf32, #tpu.memory_space<vmem>>, vector<1024x128xf32>
    %concatenate3A = tpu.concatenate %get3A_29, %div3A_21, %div3A_26 in 1 : vector<1024x128xf32>, vector<1024x64xf32>, vector<1024x64xf32> -> vector<1024x256xf32>
    %get3A_30 = arith.constant 0 : index
    %get3A_31 = arith.constant 0 : index
    %get3A_32 = vector.load %arg5[%get3A_30, %get3A_31] : memref<256x128xf32, #tpu.memory_space<vmem>>, vector<256x128xf32>
    %dot_general3A = arith.constant dense<0.000000e+00> : vector<1024x128xf32>
    %dot_general3A_33 = tpu.matmul %concatenate3A, %get3A_32, %dot_general3A {dimension_numbers = #tpu.dot_dimension_numbers<[1], [0], [0], [1], [0, 0, 1, 1], [], []>, transpose_lhs_hint = false} : vector<1024x256xf32>, vector<256x128xf32>, vector<1024x128xf32> -> vector<1024x128xf32>
    %get3A_34 = arith.constant 0 : index
    %get3A_35 = arith.constant 0 : index
    %get3A_36 = vector.load %arg6[%get3A_34, %get3A_35] : memref<1x128xf32, #tpu.memory_space<vmem>>, vector<1x128xf32>
    %add3A = vector.broadcast %get3A_36 : vector<1x128xf32> to vector<1024x128xf32>
    %add3A_37 = arith.addf %dot_general3A_33, %add3A : vector<1024x128xf32>
    %neg3A = arith.constant 0.000000e+00 : f32
    %neg3A_38 = vector.broadcast %neg3A : f32 to vector<1024x128xf32>
    %neg3A_39 = arith.subf %neg3A_38, %add3A_37 : vector<1024x128xf32>
    %exp3A = math.exp %neg3A_39 : vector<1024x128xf32>
    %add3A_40 = arith.constant 1.000000e+00 : f32
    %add3A_41 = vector.broadcast %add3A_40 : f32 to vector<1024x128xf32>
    %add3A_42 = arith.addf %add3A_41, %exp3A : vector<1024x128xf32>
    %div3A_43 = arith.constant 1.000000e+00 : f32
    %div3A_44 = vector.broadcast %div3A_43 : f32 to vector<1024x128xf32>
    %div3A_45 = arith.divf %div3A_44, %add3A_42 : vector<1024x128xf32>
    %mul3A = arith.mulf %add3A_37, %div3A_45 : vector<1024x128xf32>
    %get3A_46 = arith.constant 0 : index
    %get3A_47 = arith.constant 0 : index
    %get3A_48 = vector.load %arg7[%get3A_46, %get3A_47] : memref<128x128xf32, #tpu.memory_space<vmem>>, vector<128x128xf32>
    %dot_general3A_49 = arith.constant dense<0.000000e+00> : vector<1024x128xf32>
    %dot_general3A_50 = tpu.matmul %mul3A, %get3A_48, %dot_general3A_49 {dimension_numbers = #tpu.dot_dimension_numbers<[1], [0], [0], [1], [0, 0, 1, 1], [], []>, transpose_lhs_hint = false} : vector<1024x128xf32>, vector<128x128xf32>, vector<1024x128xf32> -> vector<1024x128xf32>
    %get3A_51 = arith.constant 0 : index
    %get3A_52 = arith.constant 0 : index
    %get3A_53 = vector.load %arg8[%get3A_51, %get3A_52] : memref<1x128xf32, #tpu.memory_space<vmem>>, vector<1x128xf32>
    %add3A_54 = vector.broadcast %get3A_53 : vector<1x128xf32> to vector<1024x128xf32>
    %add3A_55 = arith.addf %dot_general3A_50, %add3A_54 : vector<1024x128xf32>
    %swap3A = arith.constant 0 : index
    %swap3A_56 = arith.constant 0 : index
    %swap3A_57 = vector.load %arg9[%swap3A, %swap3A_56] : memref<1024x128xf32, #tpu.memory_space<vmem>>, vector<1024x128xf32>
    tpu.vector_store %arg9[%swap3A, %swap3A_56], %add3A_55 {strides = array<i32>} : memref<1024x128xf32, #tpu.memory_space<vmem>>, vector<1024x128xf32>,
    return
  }
  func.func @transform_0(%arg0: i32) -> (i32, i32) {
    %c0_i32 = arith.constant 0 : i32
    %c0_i32_0 = arith.constant 0 : i32
    return %arg0, %c0_i32 : i32, i32
  }
  func.func @transform_1(%arg0: i32) -> (i32, i32, i32) {
    %c0_i32 = arith.constant 0 : i32
    %c0_i32_0 = arith.constant 0 : i32
    %c0_i32_1 = arith.constant 0 : i32
    return %c0_i32, %arg0, %c0_i32_0 : i32, i32, i32
  }
  func.func @transform_2(%arg0: i32) -> (i32, i32) {
    %c0_i32 = arith.constant 0 : i32
    %c0_i32_0 = arith.constant 0 : i32
    return %c0_i32, %arg0 : i32, i32
  }
  func.func @transform_3(%arg0: i32) -> (i32, i32) {
    %c0_i32 = arith.constant 0 : i32
    %c0_i32_0 = arith.constant 0 : i32
    return %c0_i32, %arg0 : i32, i32
  }
  func.func @transform_4(%arg0: i32) -> (i32, i32) {
    %c0_i32 = arith.constant 0 : i32
    %c0_i32_0 = arith.constant 0 : i32
    %c0_i32_1 = arith.constant 0 : i32
    return %c0_i32, %c0_i32_0 : i32, i32
  }
  func.func @transform_5(%arg0: i32) -> (i32, i32) {
    %c0_i32 = arith.constant 0 : i32
    %c0_i32_0 = arith.constant 0 : i32
    %c0_i32_1 = arith.constant 0 : i32
    return %c0_i32, %c0_i32_0 : i32, i32
  }
  func.func @transform_6(%arg0: i32) -> (i32, i32) {
    %c0_i32 = arith.constant 0 : i32
    %c0_i32_0 = arith.constant 0 : i32
    %c0_i32_1 = arith.constant 0 : i32
    return %c0_i32, %c0_i32_0 : i32, i32
  }
  func.func @transform_7(%arg0: i32) -> (i32, i32) {
    %c0_i32 = arith.constant 0 : i32
    %c0_i32_0 = arith.constant 0 : i32
    %c0_i32_1 = arith.constant 0 : i32
    return %c0_i32, %c0_i32_0 : i32, i32
  }
  func.func @transform_8(%arg0: i32) -> (i32, i32) {
    %c0_i32 = arith.constant 0 : i32
    %c0_i32_0 = arith.constant 0 : i32
    return %arg0, %c0_i32 : i32, i32
  }
}

</mosaic_0001>

<sc_bundles>
// kernel: kernel.6.cloned.1.call-start
scs
__scs_entry_jumppad:
0x0: {  	(pc) =	sbr.rel $0x88, $3  }
0x1: {  	(tag) =	ssettag $0x0;
	lr =	simm.s32 $0x1  }
0x2: {  	[smem:$0x3F96] =	sst lr;
	_ =	strace $0xD0000000  }
0x3: {  	_ = 	snop  }
0x4: {  	_ = 	snop  }
0x5: {  	_ = 	snop  }
0x6: {  	_ = 	snop  }
0x7: {  	_ = 	snop  }
__scs_overlays_trampoline_lowered:
0x8: {  	[smem:$0x3FA5] =	sst s0  }
0x9: {  	[smem:$0x3FA6] =	sst s1  }
0xa: {  	[smem:$0x3FA7] =	sst s2  }
0xb: {  	[smem:$0x3FA8] =	sst s3  }
0xc: {  	[smem:$0x3FA9] =	sst s4  }
0xd: {  	[smem:$0x3FAA] =	sst s5  }
0xe: {  	[smem:$0x3FAB] =	sst s6  }
0xf: {  	[smem:$0x3FAC] =	sst s7  }
0x10: {  	[smem:$0x3FAD] =	sst s8  }
0x11: {  	[smem:$0x3FAE] =	sst s9;
	s0 =	simm.s32 @!p0 $0x0  }
0x12: {  	s1 =	sld [smem:$0x3F94];
	s0 =	simm.s32 @p0 $0x1  }
0x13: {  	[smem:$0x3FAF] =	sst s0;
	s0 =	simm.s32 @!p1 $0x0  }
0x14: {  	s2 =	sld [smem:$0x3F93];
	s0 =	simm.s32 @p1 $0x1  }
0x15: {  	[smem:$0x3FB0] =	sst s0;
	s0 =	simm.s32 @!p2 $0x0  }
0x16: {  	s3 =	sld [smem:$0x3FDB];
	s0 =	simm.s32 @p2 $0x1  }
0x17: {  	s4 =	simm.s32 $0x1BF5;
	[smem:$0x3FB2] =	sst s0  }
0x18: {  	s0 =	sld [smem:$0x3F95];
	_ =	swait.ge [sflag:s4], $0x0  }
0x19: {  	s7 =	sld [smem:$0x3F96]  }
0x1a: {  	s8 =	sadd.s32 $0xFFFFE003, lr  }
0x1b: {  	s9 =	sadd.s32 $0xFFFFFEF7, lr;
	s5 =	simm.s32 $0xFFFFFFFF;
	p2 =	slt.u32 s8, $0xFFFFF086  }
0x1c: {  	p1 =	slt.u32 s9, $0xF7A;
	s5 =	simm.s32 @!p2 $0x0  }
0x1d: {  	s5 =	simm.s32 @p1 $0x1;
	p0 =	seq.s32 s7, s2  }
0x1e: {  	s7 =	smul.u32 @!p0 $0xF7A, s2;
	p2 =	seq.s32 @!p0 s5, $0x0  }
0x1f: {  	s9 =	smul.u32 $0xF7A, s1;
	s8 =	simm.s32 @!p0 $0x1BF5;
	p2 =	por !p2, p0  }
0x20: {  	[sflag:s8] =	ssyncset.s32 @!p0 $0xFFFFF086;
	s6 =	sadd.s32 @!p0 s3, s7;
	s7 =	simm.s32 @!p0 $0x108  }
0x21: {  	s3 =	sadd.s32 s3, s9;
	s6 =	sadd.s32 @!p0 $0x88, s6;
	s7 =	simm.s32 @p2 $0x1082  }
0x22: {  	[simem:s7], [sflag:s8] =	dma.local @!p0 [hbm:s6], $0xF7A  }
0x23: {  	s9 =	sor.u32 $0xD0000000, s2;
	s6 =	simm.s32 $0x108;
	_ =	swait.ge @!p0 [sflag:s8], $0x0  }
0x24: {  	s3 =	sadd.s32 $0x88, s3;
	s6 =	simm.s32 @!p1 $0x1082;
	[sflag:s4] =	ssyncset.s32 $0xFFFFF086  }
0x25: {  	[simem:s6], [sflag:s4] =	dma.local [hbm:s3], $0xF7A  }
0x26: {  	[smem:$0x3F96] =	sst s1;
	(tag) =	ssettag s2;
	_ =	strace s9  }
0x27: {  	s1 =	sld [smem:$0x3FA6]  }
0x28: {  	s2 =	sld [smem:$0x3FA7]  }
0x29: {  	s4 =	sld [smem:$0x3FA9]  }
0x2a: {  	p0 =	seq.s32 s5, $0x0;
	s5 =	sld [smem:$0x3FAA]  }
0x2b: {  	s6 =	sld [smem:$0x3FAB]  }
0x2c: {  	s7 =	sld [smem:$0x3FAC]  }
0x2d: {  	s3 =	simm.s32 $0x108;
	s8 =	sld [smem:$0x3FAD]  }
0x2e: {  	s3 =	simm.s32 @!p0 $0x1082;
	s9 =	sld [smem:$0x3FAE]  }
0x2f: {  	lr =	sadd.s32 s0, s3;
	s0 =	sld [smem:$0x3FA5]  }
0x30: {  	s3 =	sld [smem:$0x3FA8]  }
0x31: {  	[smem:$0x3FB1] =	sst s10  }
0x32: {  	s10 =	sld [smem:$0x3FAF];
	_ =	sdelay $0x3  }
0x33: {  	p0 =	seq.s32 s10, $0x1;
	s10 =	sld [smem:$0x3FB1];
	_ =	sdelay $0x3  }
0x34: {  	[smem:$0x3FB1] =	sst s10  }
0x35: {  	s10 =	sld [smem:$0x3FB0];
	_ =	sdelay $0x3  }
0x36: {  	p1 =	seq.s32 s10, $0x1;
	s10 =	sld [smem:$0x3FB1];
	_ =	sdelay $0x3  }
0x37: {  	[smem:$0x3FB1] =	sst s10  }
0x38: {  	s10 =	sld [smem:$0x3FB2]  }
0x39: {  	_ = 	snop;
	(pc) =	sbr.ind lr, $3  }
0x3a: {  	_ = 	snop  }
0x3b: {  	_ = 	snop  }
0x3c: {  	p2 =	seq.s32 s10, $0x1;
	s10 =	sld [smem:$0x3FB1]  }
0x3d: {  	_ =	shalt  }
0x3e: {  	_ =	shalt  }
0x3f: {  	_ =	shalt  }
0x40: {  	_ =	shalt  }
0x41: {  	_ =	shalt  }
0x42: {  	_ =	shalt  }
0x43: {  	_ =	shalt  }
0x44: {  	_ =	shalt  }
0x45: {  	_ =	shalt  }
0x46: {  	_ =	shalt  }
0x47: {  	_ =	shalt  }
0x48: {  	_ =	shalt  }
0x49: {  	_ =	shalt  }
0x4a: {  	_ =	shalt  }
0x4b: {  	_ =	shalt  }
0x4c: {  	_ =	shalt  }
0x4d: {  	_ =	shalt  }
0x4e: {  	_ =	shalt  }
0x4f: {  	_ =	shalt  }
0x50: {  	_ =	shalt  }
0x51: {  	_ =	shalt  }
0x52: {  	_ =	shalt  }
0x53: {  	_ =	shalt  }
0x54: {  	_ =	shalt  }
0x55: {  	_ =	shalt  }
0x56: {  	_ =	shalt  }
0x57: {  	_ =	shalt  }
0x58: {  	_ =	shalt  }
0x59: {  	_ =	shalt  }
0x5a: {  	_ =	shalt  }
0x5b: {  	_ =	shalt  }
0x5c: {  	_ =	shalt  }
0x5d: {  	_ =	shalt  }
0x5e: {  	_ =	shalt  }
0x5f: {  	_ =	shalt  }
0x60: {  	_ =	shalt  }
0x61: {  	_ =	shalt  }
0x62: {  	_ =	shalt  }
0x63: {  	_ =	shalt  }
0x64: {  	_ =	shalt  }
0x65: {  	_ =	shalt  }
0x66: {  	_ =	shalt  }
0x67: {  	_ =	shalt  }
0x68: {  	_ =	shalt  }
0x69: {  	_ =	shalt  }
0x6a: {  	_ =	shalt  }
0x6b: {  	_ =	shalt  }
0x6c: {  	_ =	shalt  }
0x6d: {  	_ =	shalt  }
0x6e: {  	_ =	shalt  }
0x6f: {  	_ =	shalt  }
0x70: {  	_ =	shalt  }
0x71: {  	_ =	shalt  }
0x72: {  	_ =	shalt  }
0x73: {  	_ =	shalt  }
0x74: {  	_ =	shalt  }
0x75: {  	_ =	shalt  }
0x76: {  	_ =	shalt  }
0x77: {  	_ =	shalt  }
0x78: {  	_ =	shalt  }
0x79: {  	_ =	shalt  }
0x7a: {  	_ =	shalt  }
0x7b: {  	_ =	shalt  }
0x7c: {  	_ =	shalt  }
0x7d: {  	_ =	shalt  }
0x7e: {  	_ =	shalt  }
0x7f: {  	_ =	shalt  }
0x80: {  	_ =	shalt  }
0x81: {  	_ =	shalt  }
0x82: {  	_ =	shalt  }
0x83: {  	_ =	shalt  }
0x84: {  	_ =	shalt  }
0x85: {  	_ =	shalt  }
0x86: {  	_ =	shalt  }
0x87: {  	_ =	shalt  }
.Lfunc_end0:
.L_simem_size_0:
called_computation_lowered:
.L_overlay_start_0:
0x88: {  	s2 =	sld [smem:$0x3FD9]  }
0x89: {  	s3 =	sld [smem:$0x3FFE];
	_ =	sdelay $0x1  }
0x8a: {  	s1 =	srdreg.scid  }
0x8b: {  	s0 =	sand.u32 $0x1, s1  }
0x8c: {  	s14 =	sshll.u32 s0, $0xA;
	s2 =	sadd.s32 s3, s2  }
0x8d: {  	s2 =	sadd.s32 s2, s14  }
0x8e: {  	[smem:$0x3FBD] =	sst s2  }
0x8f: {  	_ = 	snop  }
0x90: {  	s2 =	sld [smem:$0x3FD0];
	_ =	sdelay $0x2  }
0x91: {  	s15 =	simm.s32 $0xA;
	s4 =	simm.s32 $0x10  }
0x92: {  	[smem:s4], [sflag:s15] =	dma.local [hbm:s2], $0x1  }
0x93: {  	_ =	swait.eq [sflag:s15], $0x1  }
0x94: {  	[sflag:s15] =	ssyncset.done $0x0  }
0x95: {  	s16 =	sld [smem:$0x10];
	[sflag:s15] =	ssyncadd.s32 $0xFFFFFFFF  }
0x96: {  	s17 =	sld [smem:$0x11];
	(tm) =	ssettm $0x1  }
0x97: {  	s18 =	sld [smem:$0x3FFB];
	_ =	sdelay $0x3  }
0x98: {  	_ =	strace s18  }
0x99: {  	s4 =	sld [smem:$0x3FFC];
	_ =	sdelay $0x3  }
0x9a: {  	_ =	strace s4  }
0x9b: {  	s4 =	sld [smem:$0x3FFD];
	_ =	sdelay $0x3  }
0x9c: {  	_ =	strace s4  }
0x9d: {  	_ =	strace $0x8FFFFFFF  }
0x9e: {  	s19 =	sld [smem:$0x3FDB];
	_ =	sdelay $0x1  }
0x9f: {  	s5 =	simm.s32 $_scs_section_size  }
0xa0: {  	s6 =	simm.s32 $_size__tile_overlayer_lowered;
	s7 =	simm.s32 $_tile_overlayer_lowered  }
0xa1: {  	s22 =	simm.s32 $0x1BFF;
	s21 =	sshll.u32 s7, $0x1;
	s4 =	sadd.s32 s5, s19  }
0xa2: {  	s8 =	simm.s32 $0x0;
	s20 =	sshll.u32 s6, $0x1;
	s6 =	sadd.s32 s21, s4  }
0xa3: {  	[timem:s8], [sflag:s22] =	dma.local [hbm:s6], s20  }
0xa4: {  	_ =	swait.ge [sflag:s22], s20  }
0xa5: {  	s5 =	ssub.s32 $0x0, s20;
	[sflag:s22] =	ssyncset.done $0x0  }
0xa6: {  	[sflag:s22] =	ssyncadd.s32 s5;
	_ =	sdelay $0x1  }
0xa7: {  	s23 =	simm.s32 $0x1B8B  }
0xa8: {  	_ =	swait.ge [sflag:s23], $0x1  }
0xa9: {  	[sflag:s23] =	ssyncset.done $0x0  }
0xaa: {  	s25 =	simm.s32 $0x1B8E;
	s24 =	sld [smem:$0x3FFE];
	[sflag:s23] =	ssyncadd.s32 $0xFFFFFFFF  }
0xab: {  	s26 =	simm.s32 $execute0_lowered;
	[smem:$0x3FD2] =	sst s25  }
0xac: {  	s6 =	sshll.u32 s26, $0x1;
	_ =	strace $0x80000046;
	[dreg:$0x1] =	wrdreg $0xFFFFFFFF  }
0xad: {  	s28 =	simm.s32 $_size_execute0_lowered;
	s4 =	sadd.s32 s4, s6;
	[dreg:$0x0] =	wrdreg $0x0  }
0xae: {  	s6 =	sshll.u32 s28, $0x1;
	[dreg:$0x2] =	wrdreg s4  }
0xaf: {  	[dreg:$0x3] =	wrdreg s6  }
0xb0: {  	[dreg:$0x4] =	wrdreg $0xC0  }
0xb1: {  	_ =	task [dreg:s8], $0x5FFFF  }
0xb2: {  	[dreg:$0x1] =	wrdreg $0xFFFFFFFF  }
0xb3: {  	[dreg:$0x0] =	wrdreg $0x60  }
0xb4: {  	[dreg:$0x2] =	wrdreg s16  }
0xb5: {  	[dreg:$0x3] =	wrdreg s24  }
0xb6: {  	[dreg:$0x4] =	wrdreg s17  }
0xb7: {  	[dreg:$0x5] =	wrdreg $0x9  }
0xb8: {  	_ =	task.clear_ibuf [dreg:s8], $0x6FFFF;
	_ =	strace $0x90000046  }
0xb9: {  	s29 =	simm.s32 $0x9;
	_ =	strace $0x80000048  }
0xba: {  	_ =	swait.ge [sflag:s29], $0x1  }
0xbb: {  	[sflag:s29] =	ssyncadd.s32 $0xFFFFFFFF  }
0xbc: {  	_ =	strace $0x90000048  }
0xbd: {  	_ =	sfence  }
0xbe: {  	s30 =	sld [smem:$0x0];
	_ =	sdelay $0x2  }
0xbf: {  	s31 =	sshll.u32 s1, $0xD;
	s1 =	sshrl.u32 s1, $0x2  }
0xc0: {  	s3 =	sand.u32 $0x4000, s31;
	s1 =	sadd.s32 s1, s30  }
0xc1: {  	s0 =	sor.u32 s3, s0;
	s1 =	sshll.u32 s1, $0x11  }
0xc2: {  	s0 =	sor.u32 s1, s0  }
0xc3: {  	s0 =	sadd.s32 $0x8F2B, s0  }
0xc4: {  	[sflag:s0] =	ssyncadd.remote.s32 $0x1  }
0xc5: {  	_ =	sfence.sel $0xFFFF  }
0xc6: {  	[dreg:$0x0] =	wrdreg $0xFFFFFFFF;
	(pc) =	sbr.abs _section_cstart, $3  }
0xc7: {  	[dreg:$0x1] =	wrdreg $0xFFFFFFFF  }
0xc8: {  	_ =	task.clear_ibuf [dreg:s8], $0x2FFFF;
	_ =	strace $0x9FFFFFFF  }
0xc9: {  	(tm) =	ssettm $0x7FFFFFFF  }
tec
execute0_lowered:
.L_overlay_start_1:
0x0: {  	(tag) =	ssettag $0x1  }
0x1: {  	s2 =	rddreg [dreg:$0x0]  }
0x2: {  	s6 =	rddreg [dreg:$0x1]  }
0x3: {  	s9 =	rddreg [dreg:$0x2]  }
0x4: {  	s0 =	rddreg [dreg:$0x3]  }
0x5: {  	s1 =	stileid.u32;
	s4 =	srdreg.scid  }
0x6: {  	s3 =	simm.s32 $0x0;
	s15 =	simm.s32 $0xAA00;
	s16 =	simm.s32 $0x3  }
0x7: {  	s17 =	simm.s32 $0x80;
	s18 =	simm.s32 $0x200;
	s19 =	simm.s32 $0x2200  }
0x8: {  	s20 =	simm.s32 $0x100;
	s21 =	simm.s32 $0x4200;
	s22 =	simm.s32 $0x180  }
0x9: {  	s23 =	simm.s32 $0x6200;
	s24 =	simm.s32 $0x1;
	s25 =	simm.s32 $0x0  }
0xa: {  	s10 =	sand.u32 $0x1, s4;
	s28 =	sshll.u32 s1, $0x1;
	[smem:$0x7FF] =	sst s3  }
0xb: {  	s5 =	sshll.u32 s1, $0x7;
	s12 =	sshll.u32 s1, $0xD;
	s4 =	sor.u32 s10, s28  }
0xc: {  	_ =	strace $0x80000047;
	s11 =	sadd.s32 s5, s6;
	s5 =	sadd.s32 $0x15600, s6  }
0xd: {  	s8 =	ssub.s32 $0x2, s10;
	s14 =	sadd.s32 s12, s6;
	s29 =	sshll.u32 s10, $0x6  }
0xe: {  	s12 =	sadd.s32 s12, s9;
	s30 =	sshll.u32 s10, $0xC;
	s7 =	smul.u32 $0x500, s4  }
.Ltmp0:
0xf: {  	s13 =	sshrl.u32 s8, $0x1;
	s11 =	sadd.s32 s29, s11;
	(pc) =	sbr.rel .LBB2_1-.Ltmp0, $4  }
0x10: {  	s10 =	sadd.s32 s30, s12;
	s31 =	sadd.s32 s30, s14;
	s14 =	simm.s32 $0x2  }
0x11: {  	s8 =	ssub.s32 s8, s13;
	s9 =	sadd.s32 $0xB800, s11;
	s11 =	sadd.s32 $0x1A00, s11  }
0x12: {  	s12 =	sadd.s32 $0x15C00, s31;
	s13 =	simm.s32 $0x8200;
	s7 =	sadd.s32 s7, s6  }
0x13: {  	v0 =	vimm.f32 $1.000000000e+00;
	s8 =	smax.u32 s8, $0x1;
	s6 =	sadd.s32 $0x290C00, s7;
	s7 =	sadd.s32 $0x286C00, s7  }
.LBB2_9:
0x14: {  	[hbm4b:s6+s3] =	stream.linear.scatter [tilespmem:s13], [sflag:$0x2], $0x2800, $0x38;
	[tilespmem:$0xD200] =	vst v63  }
0x15: {  	s25 =	sadd.s32 $0x1, s25;
	_ =	swait.ge [sflag:s14], $0x2800  }
0x16: {  	p0 =	sne.s32 s25, s8;
	[sflag:s14] =	ssyncset.done $0x0  }
.Ltmp1:
0x17: {  	[sflag:s14] =	ssyncadd.s32 $0xFFFFD800;
	(pc) =	sbr.rel @!p0 .LBB2_10-.Ltmp1, $4  }
0x18: {  	[hbm4b:s7+s3] =	stream.linear.scatter [tilespmem:s15], [sflag:$0x2], $0x2800, $0x38;
	[tilespmem:$0xD200] =	vst v63  }
0x19: {  	_ =	swait.ge [sflag:s14], $0x2800  }
0x1a: {  	[sflag:s14] =	ssyncset.done $0x0  }
0x1b: {  	[sflag:s14] =	ssyncadd.s32 $0xFFFFD800  }
.LBB2_1:
0x1c: {  	[tilespmem:s13], [sflag:$0x2] =	stream.linear.gather [hbm4b:s5+s3], $0x2800, $0x38;
	[tilespmem:$0xD200] =	vst v63  }
0x1d: {  	_ =	swait.ge [sflag:s14], $0x2800  }
0x1e: {  	[sflag:s14] =	ssyncset.done $0x0  }
.Ltmp2:
0x1f: {  	[sflag:s14] =	ssyncadd.s32 $0xFFFFD800;
	(pc) =	sbr.rel .LBB2_2-.Ltmp2, $4  }
0x20: {  	[tilespmem:s15], [sflag:$0x2] =	stream.linear.gather [hbm4b:s5+s3], $0x2800, $0x38;
	[tilespmem:$0xD200] =	vst v63  }
0x21: {  	_ =	swait.ge [sflag:s14], $0x2800  }
0x22: {  	s26 =	smov.u32 s10;
	[sflag:s14] =	ssyncset.done $0x0  }
0x23: {  	s28 =	smov.u32 s9;
	s29 =	simm.s32 $0x0;
	[sflag:s14] =	ssyncadd.s32 $0xFFFFD800  }
.LBB2_4:
0x24: {  	s29 =	sadd.s32 $0x20, s29  }
0x25: {  	p0 =	sne.s32 s29, $0x280  }
.Ltmp3:
0x26: {  	_ = 	snop;
	(pc) =	sbr.rel @!p0 .LBB2_5-.Ltmp3, $2  }
0x27: {  	_ =	sdelay $0x2  }
0x28: {  	s28 =	sadd.s32 $0x800, s28;
	s26 =	sadd.s32 $0x20000, s26  }
.LBB2_2:
0x29: {  	s30 =	sadd.s32 s29, s4  }
0x2a: {  	p0 =	sgt.u32 s30, $0x270  }
.Ltmp4:
0x2b: {  	_ = 	snop;
	(pc) =	sbr.rel @p0 .LBB2_4-.Ltmp4, $1  }
0x2c: {  	_ =	sdelay $0x3  }
0x2d: {  	[tilespmem:s3], [sflag:$0x3] =	stream.linear.gather [hbm4b:s28+s3], $0x200, $0x38;
	[tilespmem:$0xD200] =	vst v63  }
0x2e: {  	_ =	swait.ge [sflag:s16], $0x200  }
0x2f: {  	[sflag:s16] =	ssyncset.done $0x0  }
0x30: {  	[sflag:s16] =	ssyncadd.s32 $0xFFFFFE00  }
0x31: {  	[tilespmem:s18], [sflag:$0x1] =	stream.indirect.gather [hbm4b:s2+s17], $0x40, s3, s17, $0xb8;
	[tilespmem:$0xD200] =	vst v63  }
0x32: {  	_ = 	snop  }
0x33: {  	[tilespmem:s19], [sflag:$0x1] =	stream.indirect.gather [hbm4b:s2+s17], $0x40, s17, s17, $0xb8;
	[tilespmem:$0xD200] =	vst v63  }
0x34: {  	_ = 	snop  }
0x35: {  	[tilespmem:s21], [sflag:$0x1] =	stream.indirect.gather [hbm4b:s2+s17], $0x40, s20, s17, $0xb8;
	[tilespmem:$0xD200] =	vst v63  }
0x36: {  	_ = 	snop  }
0x37: {  	[tilespmem:s23], [sflag:$0x1] =	stream.indirect.gather [hbm4b:s2+s17], $0x40, s22, s17, $0xb8;
	[tilespmem:$0xD200] =	vst v63  }
0x38: {  	v1 =	vld [tilespmem:$0x0];
	_ =	sdelay $0x7  }
0x39: {  	[tilespmem:v1+s13+$0x0] =	vst.idx.add.f32.msk $0xffff, v0  }
0x3a: {  	v1 =	vld [tilespmem:$0x10];
	_ =	sdelay $0x7  }
0x3b: {  	[tilespmem:v1+s13+$0x0] =	vst.idx.add.f32.msk $0xffff, v0  }
0x3c: {  	v1 =	vld [tilespmem:$0x20];
	_ =	sdelay $0x7  }
0x3d: {  	[tilespmem:v1+s13+$0x0] =	vst.idx.add.f32.msk $0xffff, v0  }
0x3e: {  	v1 =	vld [tilespmem:$0x30];
	_ =	sdelay $0x7  }
0x3f: {  	[tilespmem:v1+s13+$0x0] =	vst.idx.add.f32.msk $0xffff, v0  }
0x40: {  	v1 =	vld [tilespmem:$0x40];
	_ =	sdelay $0x7  }
0x41: {  	[tilespmem:v1+s13+$0x0] =	vst.idx.add.f32.msk $0xffff, v0  }
0x42: {  	v1 =	vld [tilespmem:$0x50];
	_ =	sdelay $0x7  }
0x43: {  	[tilespmem:v1+s13+$0x0] =	vst.idx.add.f32.msk $0xffff, v0  }
0x44: {  	v1 =	vld [tilespmem:$0x60];
	_ =	sdelay $0x7  }
0x45: {  	[tilespmem:v1+s13+$0x0] =	vst.idx.add.f32.msk $0xffff, v0  }
0x46: {  	v1 =	vld [tilespmem:$0x70];
	_ =	sdelay $0x7  }
0x47: {  	[tilespmem:v1+s13+$0x0] =	vst.idx.add.f32.msk $0xffff, v0  }
0x48: {  	v1 =	vld [tilespmem:$0x80];
	_ =	sdelay $0x7  }
0x49: {  	[tilespmem:v1+s13+$0x0] =	vst.idx.add.f32.msk $0xffff, v0  }
0x4a: {  	v1 =	vld [tilespmem:$0x90];
	_ =	sdelay $0x7  }
0x4b: {  	[tilespmem:v1+s13+$0x0] =	vst.idx.add.f32.msk $0xffff, v0  }
0x4c: {  	v1 =	vld [tilespmem:$0xA0];
	_ =	sdelay $0x7  }
0x4d: {  	[tilespmem:v1+s13+$0x0] =	vst.idx.add.f32.msk $0xffff, v0  }
0x4e: {  	v1 =	vld [tilespmem:$0xB0];
	_ =	sdelay $0x7  }
0x4f: {  	[tilespmem:v1+s13+$0x0] =	vst.idx.add.f32.msk $0xffff, v0  }
0x50: {  	v1 =	vld [tilespmem:$0xC0];
	_ =	sdelay $0x7  }
0x51: {  	[tilespmem:v1+s13+$0x0] =	vst.idx.add.f32.msk $0xffff, v0  }
0x52: {  	v1 =	vld [tilespmem:$0xD0];
	_ =	sdelay $0x7  }
0x53: {  	[tilespmem:v1+s13+$0x0] =	vst.idx.add.f32.msk $0xffff, v0  }
0x54: {  	v1 =	vld [tilespmem:$0xE0];
	_ =	sdelay $0x7  }
0x55: {  	[tilespmem:v1+s13+$0x0] =	vst.idx.add.f32.msk $0xffff, v0  }
0x56: {  	v1 =	vld [tilespmem:$0xF0];
	_ =	sdelay $0x7  }
0x57: {  	[tilespmem:v1+s13+$0x0] =	vst.idx.add.f32.msk $0xffff, v0  }
0x58: {  	v1 =	vld [tilespmem:$0x100];
	_ =	sdelay $0x7  }
0x59: {  	[tilespmem:v1+s13+$0x0] =	vst.idx.add.f32.msk $0xffff, v0  }
0x5a: {  	v1 =	vld [tilespmem:$0x110];
	_ =	sdelay $0x7  }
0x5b: {  	[tilespmem:v1+s13+$0x0] =	vst.idx.add.f32.msk $0xffff, v0  }
0x5c: {  	v1 =	vld [tilespmem:$0x120];
	_ =	sdelay $0x7  }
0x5d: {  	[tilespmem:v1+s13+$0x0] =	vst.idx.add.f32.msk $0xffff, v0  }
0x5e: {  	v1 =	vld [tilespmem:$0x130];
	_ =	sdelay $0x7  }
0x5f: {  	[tilespmem:v1+s13+$0x0] =	vst.idx.add.f32.msk $0xffff, v0  }
0x60: {  	v1 =	vld [tilespmem:$0x140];
	_ =	sdelay $0x7  }
0x61: {  	[tilespmem:v1+s13+$0x0] =	vst.idx.add.f32.msk $0xffff, v0  }
0x62: {  	v1 =	vld [tilespmem:$0x150];
	_ =	sdelay $0x7  }
0x63: {  	[tilespmem:v1+s13+$0x0] =	vst.idx.add.f32.msk $0xffff, v0  }
0x64: {  	v1 =	vld [tilespmem:$0x160];
	_ =	sdelay $0x7  }
0x65: {  	[tilespmem:v1+s13+$0x0] =	vst.idx.add.f32.msk $0xffff, v0  }
0x66: {  	v1 =	vld [tilespmem:$0x170];
	_ =	sdelay $0x7  }
0x67: {  	[tilespmem:v1+s13+$0x0] =	vst.idx.add.f32.msk $0xffff, v0  }
0x68: {  	v1 =	vld [tilespmem:$0x180];
	_ =	sdelay $0x7  }
0x69: {  	[tilespmem:v1+s13+$0x0] =	vst.idx.add.f32.msk $0xffff, v0  }
0x6a: {  	v1 =	vld [tilespmem:$0x190];
	_ =	sdelay $0x7  }
0x6b: {  	[tilespmem:v1+s13+$0x0] =	vst.idx.add.f32.msk $0xffff, v0  }
0x6c: {  	v1 =	vld [tilespmem:$0x1A0];
	_ =	sdelay $0x7  }
0x6d: {  	[tilespmem:v1+s13+$0x0] =	vst.idx.add.f32.msk $0xffff, v0  }
0x6e: {  	v1 =	vld [tilespmem:$0x1B0];
	_ =	sdelay $0x7  }
0x6f: {  	[tilespmem:v1+s13+$0x0] =	vst.idx.add.f32.msk $0xffff, v0  }
0x70: {  	v1 =	vld [tilespmem:$0x1C0];
	_ =	sdelay $0x7  }
0x71: {  	[tilespmem:v1+s13+$0x0] =	vst.idx.add.f32.msk $0xffff, v0  }
0x72: {  	v1 =	vld [tilespmem:$0x1D0];
	_ =	sdelay $0x7  }
0x73: {  	[tilespmem:v1+s13+$0x0] =	vst.idx.add.f32.msk $0xffff, v0  }
0x74: {  	v1 =	vld [tilespmem:$0x1E0];
	_ =	sdelay $0x7  }
0x75: {  	[tilespmem:v1+s13+$0x0] =	vst.idx.add.f32.msk $0xffff, v0  }
0x76: {  	v1 =	vld [tilespmem:$0x1F0];
	_ =	sdelay $0x7  }
0x77: {  	[tilespmem:v1+s13+$0x0] =	vst.idx.add.f32.msk $0xffff, v0  }
0x78: {  	_ =	swait.ge [sflag:s24], $0x2000  }
0x79: {  	[sflag:s24] =	ssyncset.done $0x0  }
0x7a: {  	[sflag:s24] =	ssyncadd.s32 $0xFFFFE000  }
0x7b: {  	_ =	swait.ge [sflag:s24], $0x2000  }
0x7c: {  	[sflag:s24] =	ssyncset.done $0x0  }
0x7d: {  	[sflag:s24] =	ssyncadd.s32 $0xFFFFE000  }
0x7e: {  	_ =	swait.ge [sflag:s24], $0x2000  }
0x7f: {  	[sflag:s24] =	ssyncset.done $0x0  }
0x80: {  	[sflag:s24] =	ssyncadd.s32 $0xFFFFE000  }
0x81: {  	_ =	swait.ge [sflag:s24], $0x2000  }
0x82: {  	[sflag:s24] =	ssyncset.done $0x0  }
.Ltmp5:
0x83: {  	[sflag:s24] =	ssyncadd.s32 $0xFFFFE000;
	(pc) =	sbr.rel .LBB2_4-.Ltmp5, $4  }
0x84: {  	[hbm4b:s26+s3] =	stream.linear.scatter [tilespmem:s18], [sflag:$0x2], $0x8000, $0x38;
	[tilespmem:$0xD200] =	vst v63  }
0x85: {  	_ =	swait.ge [sflag:s14], $0x8000  }
0x86: {  	[sflag:s14] =	ssyncset.done $0x0  }
0x87: {  	[sflag:s14] =	ssyncadd.s32 $0xFFFF8000  }
.LBB2_5:
.Ltmp6:
0x88: {  	(pc) =	sbr.rel .LBB2_6-.Ltmp6, $2  }
0x89: {  	_ =	sdelay $0x2  }
0x8a: {  	s26 =	simm.s32 $0x0;
	s28 =	smov.u32 s12;
	s29 =	smov.u32 s11  }
.LBB2_8:
0x8b: {  	s26 =	sadd.s32 $0x20, s26  }
0x8c: {  	p0 =	sne.s32 s26, $0x280  }
.Ltmp7:
0x8d: {  	_ = 	snop;
	(pc) =	sbr.rel @!p0 .LBB2_9-.Ltmp7, $2  }
0x8e: {  	_ =	sdelay $0x2  }
0x8f: {  	s29 =	sadd.s32 $0x800, s29;
	s28 =	sadd.s32 $0x20000, s28  }
.LBB2_6:
0x90: {  	s30 =	sadd.s32 s26, s4  }
0x91: {  	p0 =	sgt.u32 s30, $0x270  }
.Ltmp8:
0x92: {  	_ = 	snop;
	(pc) =	sbr.rel @p0 .LBB2_8-.Ltmp8, $1  }
0x93: {  	_ =	sdelay $0x3  }
0x94: {  	[tilespmem:s3], [sflag:$0x3] =	stream.linear.gather [hbm4b:s29+s3], $0x200, $0x38;
	[tilespmem:$0xD200] =	vst v63  }
0x95: {  	_ =	swait.ge [sflag:s16], $0x200  }
0x96: {  	[sflag:s16] =	ssyncset.done $0x0  }
0x97: {  	[sflag:s16] =	ssyncadd.s32 $0xFFFFFE00  }
0x98: {  	[tilespmem:s18], [sflag:$0x1] =	stream.indirect.gather [hbm4b:s2+s17], $0x40, s3, s17, $0xb8;
	[tilespmem:$0xD200] =	vst v63  }
0x99: {  	_ = 	snop  }
0x9a: {  	[tilespmem:s19], [sflag:$0x1] =	stream.indirect.gather [hbm4b:s2+s17], $0x40, s17, s17, $0xb8;
	[tilespmem:$0xD200] =	vst v63  }
0x9b: {  	_ = 	snop  }
0x9c: {  	[tilespmem:s21], [sflag:$0x1] =	stream.indirect.gather [hbm4b:s2+s17], $0x40, s20, s17, $0xb8;
	[tilespmem:$0xD200] =	vst v63  }
0x9d: {  	_ = 	snop  }
0x9e: {  	[tilespmem:s23], [sflag:$0x1] =	stream.indirect.gather [hbm4b:s2+s17], $0x40, s22, s17, $0xb8;
	[tilespmem:$0xD200] =	vst v63  }
0x9f: {  	v1 =	vld [tilespmem:$0x0];
	_ =	sdelay $0x7  }
0xa0: {  	[tilespmem:v1+s15+$0x0] =	vst.idx.add.f32.msk $0xffff, v0  }
0xa1: {  	v1 =	vld [tilespmem:$0x10];
	_ =	sdelay $0x7  }
0xa2: {  	[tilespmem:v1+s15+$0x0] =	vst.idx.add.f32.msk $0xffff, v0  }
0xa3: {  	v1 =	vld [tilespmem:$0x20];
	_ =	sdelay $0x7  }
0xa4: {  	[tilespmem:v1+s15+$0x0] =	vst.idx.add.f32.msk $0xffff, v0  }
0xa5: {  	v1 =	vld [tilespmem:$0x30];
	_ =	sdelay $0x7  }
0xa6: {  	[tilespmem:v1+s15+$0x0] =	vst.idx.add.f32.msk $0xffff, v0  }
0xa7: {  	v1 =	vld [tilespmem:$0x40];
	_ =	sdelay $0x7  }
0xa8: {  	[tilespmem:v1+s15+$0x0] =	vst.idx.add.f32.msk $0xffff, v0  }
0xa9: {  	v1 =	vld [tilespmem:$0x50];
	_ =	sdelay $0x7  }
0xaa: {  	[tilespmem:v1+s15+$0x0] =	vst.idx.add.f32.msk $0xffff, v0  }
0xab: {  	v1 =	vld [tilespmem:$0x60];
	_ =	sdelay $0x7  }
0xac: {  	[tilespmem:v1+s15+$0x0] =	vst.idx.add.f32.msk $0xffff, v0  }
0xad: {  	v1 =	vld [tilespmem:$0x70];
	_ =	sdelay $0x7  }
0xae: {  	[tilespmem:v1+s15+$0x0] =	vst.idx.add.f32.msk $0xffff, v0  }
0xaf: {  	v1 =	vld [tilespmem:$0x80];
	_ =	sdelay $0x7  }
0xb0: {  	[tilespmem:v1+s15+$0x0] =	vst.idx.add.f32.msk $0xffff, v0  }
0xb1: {  	v1 =	vld [tilespmem:$0x90];
	_ =	sdelay $0x7  }
0xb2: {  	[tilespmem:v1+s15+$0x0] =	vst.idx.add.f32.msk $0xffff, v0  }
0xb3: {  	v1 =	vld [tilespmem:$0xA0];
	_ =	sdelay $0x7  }
0xb4: {  	[tilespmem:v1+s15+$0x0] =	vst.idx.add.f32.msk $0xffff, v0  }
0xb5: {  	v1 =	vld [tilespmem:$0xB0];
	_ =	sdelay $0x7  }
0xb6: {  	[tilespmem:v1+s15+$0x0] =	vst.idx.add.f32.msk $0xffff, v0  }
0xb7: {  	v1 =	vld [tilespmem:$0xC0];
	_ =	sdelay $0x7  }
0xb8: {  	[tilespmem:v1+s15+$0x0] =	vst.idx.add.f32.msk $0xffff, v0  }
0xb9: {  	v1 =	vld [tilespmem:$0xD0];
	_ =	sdelay $0x7  }
0xba: {  	[tilespmem:v1+s15+$0x0] =	vst.idx.add.f32.msk $0xffff, v0  }
0xbb: {  	v1 =	vld [tilespmem:$0xE0];
	_ =	sdelay $0x7  }
0xbc: {  	[tilespmem:v1+s15+$0x0] =	vst.idx.add.f32.msk $0xffff, v0  }
0xbd: {  	v1 =	vld [tilespmem:$0xF0];
	_ =	sdelay $0x7  }
0xbe: {  	[tilespmem:v1+s15+$0x0] =	vst.idx.add.f32.msk $0xffff, v0  }
0xbf: {  	v1 =	vld [tilespmem:$0x100];
	_ =	sdelay $0x7  }
0xc0: {  	[tilespmem:v1+s15+$0x0] =	vst.idx.add.f32.msk $0xffff, v0  }
0xc1: {  	v1 =	vld [tilespmem:$0x110];
	_ =	sdelay $0x7  }
0xc2: {  	[tilespmem:v1+s15+$0x0] =	vst.idx.add.f32.msk $0xffff, v0  }
0xc3: {  	v1 =	vld [tilespmem:$0x120];
	_ =	sdelay $0x7  }
0xc4: {  	[tilespmem:v1+s15+$0x0] =	vst.idx.add.f32.msk $0xffff, v0  }
0xc5: {  	v1 =	vld [tilespmem:$0x130];
	_ =	sdelay $0x7  }
0xc6: {  	[tilespmem:v1+s15+$0x0] =	vst.idx.add.f32.msk $0xffff, v0  }
0xc7: {  	v1 =	vld [tilespmem:$0x140];
	_ =	sdelay $0x7  }
0xc8: {  	[tilespmem:v1+s15+$0x0] =	vst.idx.add.f32.msk $0xffff, v0  }
0xc9: {  	v1 =	vld [tilespmem:$0x150];
	_ =	sdelay $0x7  }
0xca: {  	[tilespmem:v1+s15+$0x0] =	vst.idx.add.f32.msk $0xffff, v0  }
0xcb: {  	v1 =	vld [tilespmem:$0x160];
	_ =	sdelay $0x7  }
0xcc: {  	[tilespmem:v1+s15+$0x0] =	vst.idx.add.f32.msk $0xffff, v0  }
0xcd: {  	v1 =	vld [tilespmem:$0x170];
	_ =	sdelay $0x7  }
0xce: {  	[tilespmem:v1+s15+$0x0] =	vst.idx.add.f32.msk $0xffff, v0  }
0xcf: {  	v1 =	vld [tilespmem:$0x180];
	_ =	sdelay $0x7  }
0xd0: {  	[tilespmem:v1+s15+$0x0] =	vst.idx.add.f32.msk $0xffff, v0  }
0xd1: {  	v1 =	vld [tilespmem:$0x190];
	_ =	sdelay $0x7  }
0xd2: {  	[tilespmem:v1+s15+$0x0] =	vst.idx.add.f32.msk $0xffff, v0  }
0xd3: {  	v1 =	vld [tilespmem:$0x1A0];
	_ =	sdelay $0x7  }
0xd4: {  	[tilespmem:v1+s15+$0x0] =	vst.idx.add.f32.msk $0xffff, v0  }
0xd5: {  	v1 =	vld [tilespmem:$0x1B0];
	_ =	sdelay $0x7  }
0xd6: {  	[tilespmem:v1+s15+$0x0] =	vst.idx.add.f32.msk $0xffff, v0  }
0xd7: {  	v1 =	vld [tilespmem:$0x1C0];
	_ =	sdelay $0x7  }
0xd8: {  	[tilespmem:v1+s15+$0x0] =	vst.idx.add.f32.msk $0xffff, v0  }
0xd9: {  	v1 =	vld [tilespmem:$0x1D0];
	_ =	sdelay $0x7  }
0xda: {  	[tilespmem:v1+s15+$0x0] =	vst.idx.add.f32.msk $0xffff, v0  }
0xdb: {  	v1 =	vld [tilespmem:$0x1E0];
	_ =	sdelay $0x7  }
0xdc: {  	[tilespmem:v1+s15+$0x0] =	vst.idx.add.f32.msk $0xffff, v0  }
0xdd: {  	v1 =	vld [tilespmem:$0x1F0];
	_ =	sdelay $0x7  }
0xde: {  	[tilespmem:v1+s15+$0x0] =	vst.idx.add.f32.msk $0xffff, v0  }
0xdf: {  	_ =	swait.ge [sflag:s24], $0x2000  }
0xe0: {  	[sflag:s24] =	ssyncset.done $0x0  }
0xe1: {  	[sflag:s24] =	ssyncadd.s32 $0xFFFFE000  }
0xe2: {  	_ =	swait.ge [sflag:s24], $0x2000  }
0xe3: {  	[sflag:s24] =	ssyncset.done $0x0  }
0xe4: {  	[sflag:s24] =	ssyncadd.s32 $0xFFFFE000  }
0xe5: {  	_ =	swait.ge [sflag:s24], $0x2000  }
0xe6: {  	[sflag:s24] =	ssyncset.done $0x0  }
0xe7: {  	[sflag:s24] =	ssyncadd.s32 $0xFFFFE000  }
0xe8: {  	_ =	swait.ge [sflag:s24], $0x2000  }
0xe9: {  	[sflag:s24] =	ssyncset.done $0x0  }
.Ltmp9:
0xea: {  	[sflag:s24] =	ssyncadd.s32 $0xFFFFE000;
	(pc) =	sbr.rel .LBB2_8-.Ltmp9, $4  }
0xeb: {  	[hbm4b:s28+s3] =	stream.linear.scatter [tilespmem:s18], [sflag:$0x2], $0x8000, $0x38;
	[tilespmem:$0xD200] =	vst v63  }
0xec: {  	_ =	swait.ge [sflag:s14], $0x8000  }
0xed: {  	[sflag:s14] =	ssyncset.done $0x0  }
0xee: {  	[sflag:s14] =	ssyncadd.s32 $0xFFFF8000  }
.LBB2_10:
0xef: {  	_ =	sfence.sel $0x180000  }
0xf0: {  	[bflag:$0x0] =	sbarrier.arrive $0xFFFF  }
0xf1: {  	p0 =	sne.s32 s1, $0x0;
	_ =	strace $0x90000047  }
0xf2: {  	s0 =	sadd.s32 @!p0 $0x100000, s0;
	[bflag:$0x2] =	sbarrier.arrive $0xFFFF  }
0xf3: {  	[sflag:s0] =	ssyncadd.tile.s32 @!p0 $0x1;
	_ =	shalt  }
.Lfunc_end2:
_tile_overlayer_lowered:
.L_overlay_start_2:
0xf4: {  	(tag) =	ssettag $0x2  }
0xf5: {  	s0 =	rddreg [dreg:$0x0];
	s2 =	stileid.u32  }
0xf6: {  	s1 =	rddreg [dreg:$0x1];
	p0 =	sne.s32 s2, $0x0  }
0xf7: {  	s3 =	rddreg [dreg:$0x2];
	[bflag:$0x3] =	sbarrier.arrive $0xFFFF;
	s2 =	simm.s32 @!p0 $0x1C02  }
0xf8: {  	[timem:s3], [sflag:s2] =	dma.local @!p0 [hbm:s0], s1  }
0xf9: {  	s0 =	simm.s32 @!p0 $0x2  }
0xfa: {  	_ =	swait.ge @!p0 [sflag:s0], s1  }
0xfb: {  	s1 =	ssub.s32 @!p0 $0x0, s1;
	[sflag:s0] =	ssyncset.done @!p0 $0x0  }
0xfc: {  	[sflag:s0] =	ssyncadd.s32 @!p0 s1  }
0xfd: {  	[bflag:$0x3] =	sbarrier.arrive $0xFFFF  }
0xfe: {  	_ =	shalt  }

// kernel: kernel.9.cloned.1.call-start
scs
__scs_entry_jumppad:
0x0: {  	(pc) =	sbr.rel $0x88, $3  }
0x1: {  	(tag) =	ssettag $0x0;
	lr =	simm.s32 $0x1  }
0x2: {  	[smem:$0x3F96] =	sst lr;
	_ =	strace $0xD0000000  }
0x3: {  	_ = 	snop  }
0x4: {  	_ = 	snop  }
0x5: {  	_ = 	snop  }
0x6: {  	_ = 	snop  }
0x7: {  	_ = 	snop  }
__scs_overlays_trampoline_lowered:
0x8: {  	[smem:$0x3FA5] =	sst s0  }
0x9: {  	[smem:$0x3FA6] =	sst s1  }
0xa: {  	[smem:$0x3FA7] =	sst s2  }
0xb: {  	[smem:$0x3FA8] =	sst s3  }
0xc: {  	[smem:$0x3FA9] =	sst s4  }
0xd: {  	[smem:$0x3FAA] =	sst s5  }
0xe: {  	[smem:$0x3FAB] =	sst s6  }
0xf: {  	[smem:$0x3FAC] =	sst s7  }
0x10: {  	[smem:$0x3FAD] =	sst s8  }
0x11: {  	[smem:$0x3FAE] =	sst s9;
	s0 =	simm.s32 @!p0 $0x0  }
0x12: {  	s1 =	sld [smem:$0x3F94];
	s0 =	simm.s32 @p0 $0x1  }
0x13: {  	[smem:$0x3FAF] =	sst s0;
	s0 =	simm.s32 @!p1 $0x0  }
0x14: {  	s2 =	sld [smem:$0x3F93];
	s0 =	simm.s32 @p1 $0x1  }
0x15: {  	[smem:$0x3FB0] =	sst s0;
	s0 =	simm.s32 @!p2 $0x0  }
0x16: {  	s3 =	sld [smem:$0x3FDB];
	s0 =	simm.s32 @p2 $0x1  }
0x17: {  	s4 =	simm.s32 $0x1BF5;
	[smem:$0x3FB2] =	sst s0  }
0x18: {  	s0 =	sld [smem:$0x3F95];
	_ =	swait.ge [sflag:s4], $0x0  }
0x19: {  	s7 =	sld [smem:$0x3F96]  }
0x1a: {  	s8 =	sadd.s32 $0xFFFFE003, lr  }
0x1b: {  	s9 =	sadd.s32 $0xFFFFFEF7, lr;
	s5 =	simm.s32 $0xFFFFFFFF;
	p2 =	slt.u32 s8, $0xFFFFF086  }
0x1c: {  	p1 =	slt.u32 s9, $0xF7A;
	s5 =	simm.s32 @!p2 $0x0  }
0x1d: {  	s5 =	simm.s32 @p1 $0x1;
	p0 =	seq.s32 s7, s2  }
0x1e: {  	s7 =	smul.u32 @!p0 $0xF7A, s2;
	p2 =	seq.s32 @!p0 s5, $0x0  }
0x1f: {  	s9 =	smul.u32 $0xF7A, s1;
	s8 =	simm.s32 @!p0 $0x1BF5;
	p2 =	por !p2, p0  }
0x20: {  	[sflag:s8] =	ssyncset.s32 @!p0 $0xFFFFF086;
	s6 =	sadd.s32 @!p0 s3, s7;
	s7 =	simm.s32 @!p0 $0x108  }
0x21: {  	s3 =	sadd.s32 s3, s9;
	s6 =	sadd.s32 @!p0 $0x88, s6;
	s7 =	simm.s32 @p2 $0x1082  }
0x22: {  	[simem:s7], [sflag:s8] =	dma.local @!p0 [hbm:s6], $0xF7A  }
0x23: {  	s9 =	sor.u32 $0xD0000000, s2;
	s6 =	simm.s32 $0x108;
	_ =	swait.ge @!p0 [sflag:s8], $0x0  }
0x24: {  	s3 =	sadd.s32 $0x88, s3;
	s6 =	simm.s32 @!p1 $0x1082;
	[sflag:s4] =	ssyncset.s32 $0xFFFFF086  }
0x25: {  	[simem:s6], [sflag:s4] =	dma.local [hbm:s3], $0xF7A  }
0x26: {  	[smem:$0x3F96] =	sst s1;
	(tag) =	ssettag s2;
	_ =	strace s9  }
0x27: {  	s1 =	sld [smem:$0x3FA6]  }
0x28: {  	s2 =	sld [smem:$0x3FA7]  }
0x29: {  	s4 =	sld [smem:$0x3FA9]  }
0x2a: {  	p0 =	seq.s32 s5, $0x0;
	s5 =	sld [smem:$0x3FAA]  }
0x2b: {  	s6 =	sld [smem:$0x3FAB]  }
0x2c: {  	s7 =	sld [smem:$0x3FAC]  }
0x2d: {  	s3 =	simm.s32 $0x108;
	s8 =	sld [smem:$0x3FAD]  }
0x2e: {  	s3 =	simm.s32 @!p0 $0x1082;
	s9 =	sld [smem:$0x3FAE]  }
0x2f: {  	lr =	sadd.s32 s0, s3;
	s0 =	sld [smem:$0x3FA5]  }
0x30: {  	s3 =	sld [smem:$0x3FA8]  }
0x31: {  	[smem:$0x3FB1] =	sst s10  }
0x32: {  	s10 =	sld [smem:$0x3FAF];
	_ =	sdelay $0x3  }
0x33: {  	p0 =	seq.s32 s10, $0x1;
	s10 =	sld [smem:$0x3FB1];
	_ =	sdelay $0x3  }
0x34: {  	[smem:$0x3FB1] =	sst s10  }
0x35: {  	s10 =	sld [smem:$0x3FB0];
	_ =	sdelay $0x3  }
0x36: {  	p1 =	seq.s32 s10, $0x1;
	s10 =	sld [smem:$0x3FB1];
	_ =	sdelay $0x3  }
0x37: {  	[smem:$0x3FB1] =	sst s10  }
0x38: {  	s10 =	sld [smem:$0x3FB2]  }
0x39: {  	_ = 	snop;
	(pc) =	sbr.ind lr, $3  }
0x3a: {  	_ = 	snop  }
0x3b: {  	_ = 	snop  }
0x3c: {  	p2 =	seq.s32 s10, $0x1;
	s10 =	sld [smem:$0x3FB1]  }
0x3d: {  	_ =	shalt  }
0x3e: {  	_ =	shalt  }
0x3f: {  	_ =	shalt  }
0x40: {  	_ =	shalt  }
0x41: {  	_ =	shalt  }
0x42: {  	_ =	shalt  }
0x43: {  	_ =	shalt  }
0x44: {  	_ =	shalt  }
0x45: {  	_ =	shalt  }
0x46: {  	_ =	shalt  }
0x47: {  	_ =	shalt  }
0x48: {  	_ =	shalt  }
0x49: {  	_ =	shalt  }
0x4a: {  	_ =	shalt  }
0x4b: {  	_ =	shalt  }
0x4c: {  	_ =	shalt  }
0x4d: {  	_ =	shalt  }
0x4e: {  	_ =	shalt  }
0x4f: {  	_ =	shalt  }
0x50: {  	_ =	shalt  }
0x51: {  	_ =	shalt  }
0x52: {  	_ =	shalt  }
0x53: {  	_ =	shalt  }
0x54: {  	_ =	shalt  }
0x55: {  	_ =	shalt  }
0x56: {  	_ =	shalt  }
0x57: {  	_ =	shalt  }
0x58: {  	_ =	shalt  }
0x59: {  	_ =	shalt  }
0x5a: {  	_ =	shalt  }
0x5b: {  	_ =	shalt  }
0x5c: {  	_ =	shalt  }
0x5d: {  	_ =	shalt  }
0x5e: {  	_ =	shalt  }
0x5f: {  	_ =	shalt  }
0x60: {  	_ =	shalt  }
0x61: {  	_ =	shalt  }
0x62: {  	_ =	shalt  }
0x63: {  	_ =	shalt  }
0x64: {  	_ =	shalt  }
0x65: {  	_ =	shalt  }
0x66: {  	_ =	shalt  }
0x67: {  	_ =	shalt  }
0x68: {  	_ =	shalt  }
0x69: {  	_ =	shalt  }
0x6a: {  	_ =	shalt  }
0x6b: {  	_ =	shalt  }
0x6c: {  	_ =	shalt  }
0x6d: {  	_ =	shalt  }
0x6e: {  	_ =	shalt  }
0x6f: {  	_ =	shalt  }
0x70: {  	_ =	shalt  }
0x71: {  	_ =	shalt  }
0x72: {  	_ =	shalt  }
0x73: {  	_ =	shalt  }
0x74: {  	_ =	shalt  }
0x75: {  	_ =	shalt  }
0x76: {  	_ =	shalt  }
0x77: {  	_ =	shalt  }
0x78: {  	_ =	shalt  }
0x79: {  	_ =	shalt  }
0x7a: {  	_ =	shalt  }
0x7b: {  	_ =	shalt  }
0x7c: {  	_ =	shalt  }
0x7d: {  	_ =	shalt  }
0x7e: {  	_ =	shalt  }
0x7f: {  	_ =	shalt  }
0x80: {  	_ =	shalt  }
0x81: {  	_ =	shalt  }
0x82: {  	_ =	shalt  }
0x83: {  	_ =	shalt  }
0x84: {  	_ =	shalt  }
0x85: {  	_ =	shalt  }
0x86: {  	_ =	shalt  }
0x87: {  	_ =	shalt  }
.Lfunc_end0:
.L_simem_size_0:
called_computation.1_lowered:
.L_overlay_start_0:
0x88: {  	s2 =	sld [smem:$0x3FD9]  }
0x89: {  	s3 =	sld [smem:$0x3FFE];
	_ =	sdelay $0x1  }
0x8a: {  	s1 =	srdreg.scid  }
0x8b: {  	s0 =	sand.u32 $0x1, s1  }
0x8c: {  	s14 =	sshll.u32 s0, $0xA;
	s2 =	sadd.s32 s3, s2  }
0x8d: {  	s2 =	sadd.s32 s2, s14  }
0x8e: {  	[smem:$0x3FBD] =	sst s2  }
0x8f: {  	_ = 	snop  }
0x90: {  	s2 =	sld [smem:$0x3FD0];
	_ =	sdelay $0x2  }
0x91: {  	s15 =	simm.s32 $0xA;
	s4 =	simm.s32 $0x10  }
0x92: {  	[smem:s4], [sflag:s15] =	dma.local [hbm:s2], $0x1  }
0x93: {  	_ =	swait.eq [sflag:s15], $0x1  }
0x94: {  	[sflag:s15] =	ssyncset.done $0x0  }
0x95: {  	s16 =	sld [smem:$0x10];
	[sflag:s15] =	ssyncadd.s32 $0xFFFFFFFF  }
0x96: {  	s17 =	sld [smem:$0x11];
	(tm) =	ssettm $0x1  }
0x97: {  	s18 =	sld [smem:$0x3FFB];
	_ =	sdelay $0x3  }
0x98: {  	_ =	strace s18  }
0x99: {  	s4 =	sld [smem:$0x3FFC];
	_ =	sdelay $0x3  }
0x9a: {  	_ =	strace s4  }
0x9b: {  	s4 =	sld [smem:$0x3FFD];
	_ =	sdelay $0x3  }
0x9c: {  	_ =	strace s4  }
0x9d: {  	_ =	strace $0x8FFFFFFF  }
0x9e: {  	s19 =	sld [smem:$0x3FDB];
	_ =	sdelay $0x1  }
0x9f: {  	s5 =	simm.s32 $_scs_section_size  }
0xa0: {  	s6 =	simm.s32 $_size__tile_overlayer_lowered;
	s7 =	simm.s32 $_tile_overlayer_lowered  }
0xa1: {  	s22 =	simm.s32 $0x1BFF;
	s21 =	sshll.u32 s7, $0x1;
	s4 =	sadd.s32 s5, s19  }
0xa2: {  	s8 =	simm.s32 $0x0;
	s20 =	sshll.u32 s6, $0x1;
	s6 =	sadd.s32 s21, s4  }
0xa3: {  	[timem:s8], [sflag:s22] =	dma.local [hbm:s6], s20  }
0xa4: {  	_ =	swait.ge [sflag:s22], s20  }
0xa5: {  	s5 =	ssub.s32 $0x0, s20;
	[sflag:s22] =	ssyncset.done $0x0  }
0xa6: {  	[sflag:s22] =	ssyncadd.s32 s5;
	_ =	sdelay $0x1  }
0xa7: {  	s23 =	simm.s32 $0x1B8B  }
0xa8: {  	_ =	swait.ge [sflag:s23], $0x1  }
0xa9: {  	[sflag:s23] =	ssyncset.done $0x0  }
0xaa: {  	s25 =	simm.s32 $0x1B8E;
	s24 =	sld [smem:$0x3FFE];
	[sflag:s23] =	ssyncadd.s32 $0xFFFFFFFF  }
0xab: {  	s26 =	simm.s32 $execute0_lowered;
	[smem:$0x3FD2] =	sst s25  }
0xac: {  	s6 =	sshll.u32 s26, $0x1;
	_ =	strace $0x80000049;
	[dreg:$0x1] =	wrdreg $0xFFFFFFFF  }
0xad: {  	s28 =	simm.s32 $_size_execute0_lowered;
	s4 =	sadd.s32 s4, s6;
	[dreg:$0x0] =	wrdreg $0x0  }
0xae: {  	s6 =	sshll.u32 s28, $0x1;
	[dreg:$0x2] =	wrdreg s4  }
0xaf: {  	[dreg:$0x3] =	wrdreg s6  }
0xb0: {  	[dreg:$0x4] =	wrdreg $0xC0  }
0xb1: {  	_ =	task [dreg:s8], $0x5FFFF  }
0xb2: {  	[dreg:$0x1] =	wrdreg $0xFFFFFFFF  }
0xb3: {  	[dreg:$0x0] =	wrdreg $0x60  }
0xb4: {  	[dreg:$0x2] =	wrdreg s17  }
0xb5: {  	[dreg:$0x3] =	wrdreg s24  }
0xb6: {  	[dreg:$0x4] =	wrdreg s16  }
0xb7: {  	[dreg:$0x5] =	wrdreg $0x0  }
0xb8: {  	[dreg:$0x6] =	wrdreg $0x9  }
0xb9: {  	_ =	task.clear_ibuf [dreg:s8], $0x7FFFF;
	_ =	strace $0x90000049  }
0xba: {  	s29 =	simm.s32 $0x9;
	_ =	strace $0x8000004B  }
0xbb: {  	_ =	swait.ge [sflag:s29], $0x1  }
0xbc: {  	[sflag:s29] =	ssyncadd.s32 $0xFFFFFFFF  }
0xbd: {  	_ =	strace $0x9000004B  }
0xbe: {  	_ =	sfence  }
0xbf: {  	s30 =	sld [smem:$0x0];
	_ =	sdelay $0x2  }
0xc0: {  	s31 =	sshll.u32 s1, $0xD;
	s1 =	sshrl.u32 s1, $0x2  }
0xc1: {  	s3 =	sand.u32 $0x4000, s31;
	s1 =	sadd.s32 s1, s30  }
0xc2: {  	s0 =	sor.u32 s3, s0;
	s1 =	sshll.u32 s1, $0x11  }
0xc3: {  	s0 =	sor.u32 s1, s0  }
0xc4: {  	s0 =	sadd.s32 $0x8F2B, s0  }
0xc5: {  	[sflag:s0] =	ssyncadd.remote.s32 $0x1  }
0xc6: {  	_ =	sfence.sel $0xFFFF  }
0xc7: {  	[dreg:$0x0] =	wrdreg $0xFFFFFFFF;
	(pc) =	sbr.abs _section_cstart, $3  }
0xc8: {  	[dreg:$0x1] =	wrdreg $0xFFFFFFFF  }
0xc9: {  	_ =	task.clear_ibuf [dreg:s8], $0x2FFFF;
	_ =	strace $0x9FFFFFFF  }
0xca: {  	(tm) =	ssettm $0x7FFFFFFF  }
0xcb: {  	_ =	shalt  }
tec
execute0_lowered:
.L_overlay_start_1:
0x0: {  	(tag) =	ssettag $0x1  }
0x1: {  	s9 =	rddreg [dreg:$0x0]  }
0x2: {  	s5 =	rddreg [dreg:$0x1]  }
0x3: {  	s2 =	rddreg [dreg:$0x2]  }
0x4: {  	s3 =	rddreg [dreg:$0x3]  }
0x5: {  	s0 =	rddreg [dreg:$0x4]  }
0x6: {  	s1 =	stileid.u32;
	s6 =	srdreg.scid;
	s4 =	simm.s32 $0x0  }
0x7: {  	s14 =	simm.s32 $0x0;
	s7 =	sand.u32 $0x1, s6;
	s23 =	smul.u32 $0x1400, s1  }
0x8: {  	[smem:$0x7FF] =	sst s4;
	s10 =	sshll.u32 s1, $0x5;
	s11 =	smul.u32 $0x28000, s1  }
0x9: {  	s28 =	sshll.u32 s1, $0x6;
	s30 =	sshll.u32 s1, $0xB;
	s8 =	smul.u32 $0x14000, s7  }
0xa: {  	_ =	strace $0x8000004A;
	s24 =	ssub.s32 $0x2, s7;
	s10 =	sadd.s32 s10, s5  }
0xb: {  	s29 =	sshll.u32 s7, $0x4;
	s13 =	sshll.u32 s7, $0x3;
	s31 =	sadd.s32 s30, s9  }
0xc: {  	s25 =	sshrl.u32 s24, $0x1;
	s26 =	sshrl.u32 s11, $0x2;
	s10 =	sadd.s32 s29, s10  }
0xd: {  	s6 =	sadd.s32 s23, s8;
	s8 =	ssub.s32 s24, s25;
	s9 =	sadd.s32 $0x29AC00, s10  }
0xe: {  	s10 =	sadd.s32 s13, s31;
	s13 =	simm.s32 $0xC080;
	s12 =	sadd.s32 s6, s5  }
0xf: {  	s5 =	sadd.s32 s26, s3;
	s6 =	sor.u32 $0x1C01, s28;
	s8 =	smax.u32 s8, $0x1  }
0x10: {  	s7 =	sadd.s32 $0x1A00, s12;
	s11 =	sshrl.u32 s5, $0x3;
	s12 =	simm.s32 $0x1  }
.LBB2_1:
0x11: {  	[spmem:s11], [sflag:s6] =	dma.local [hbm:s2], $0x1400  }
0x12: {  	s15 =	sadd.s32 $0x0, s1;
	_ =	swait.ge [sflag:s12], $0x1400  }
0x13: {  	p0 =	sgt.u32 s15, $0x9C3;
	[sflag:s12] =	ssyncset.done $0x0  }
0x14: {  	s15 =	simm.s32 @!p0 $0x0;
	[sflag:s12] =	ssyncadd.s32 $0xFFFFEC00  }
0x15: {  	s17 =	simm.s32 @!p0 $0xA000;
	s18 =	simm.s32 @!p0 $0x2;
	[bflag:$0x0] =	sbarrier.arrive $0xFFFF  }
0x16: {  	[tilespmem:s17], [sflag:$0x2] =	stream.linear.gather @!p0 [hbm4b:s9+s15], $0x80, $0x38;
	[tilespmem:$0x16080] =	vst v63  }
0x17: {  	_ =	swait.ge @!p0 [sflag:s18], $0x80;
	p0 =	por p0, p0  }
0x18: {  	[sflag:s18] =	ssyncset.done @!p0 $0x0;
	s15 =	simm.s32 @!p0 $0xA080  }
0x19: {  	s16 =	simm.s32 @!p0 $0x40;
	s19 =	simm.s32 @!p0 $0x80;
	[sflag:s18] =	ssyncadd.s32 @!p0 $0xFFFFFF80  }
0x1a: {  	[tilespmem:s15], [sflag:$0x2] =	stream.strided.gather @!p0 [hbm4b:s10+s16], $0x2000, s19, s16, $0x38;
	[tilespmem:$0x16080] =	vst v63  }
0x1b: {  	s31 =	sadd.s32 $0x10, s1;
	_ =	swait.ge @!p0 [sflag:s18], $0x2000  }
0x1c: {  	p1 =	sgt.u32 s31, $0x9C3;
	[sflag:s18] =	ssyncset.done @!p0 $0x0  }
0x1d: {  	s16 =	simm.s32 $0x20;
	[sflag:s18] =	ssyncadd.s32 @!p0 $0xFFFFE000;
	s18 =	simm.s32 @!p0 $0x1  }
0x1e: {  	[spmem:s3] =	stream.indirect.scatter.add.f32 @!p0 [tilespmem:s15], [sflag:$0x1], $0x40, s17, s19, $0xb8;
	[tilespmem:$0x16080] =	vst v63  }
0x1f: {  	s15 =	sadd.s32 $0x8000, s10;
	s17 =	sadd.s32 $0x200, s9;
	_ =	swait.ge @!p0 [sflag:s18], $0x2000  }
.LBB2_2:
0x20: {  	s19 =	simm.s32 @!p1 $0x0  }
0x21: {  	s20 =	simm.s32 @!p1 $0xA000;
	[sflag:s18] =	ssyncset.done @!p0 $0x0;
	s21 =	smov.u32 s16  }
0x22: {  	s16 =	sadd.s32 $0x10, s16;
	s22 =	simm.s32 @!p1 $0x2;
	[sflag:s18] =	ssyncadd.s32 @!p0 $0xFFFFE000  }
0x23: {  	[tilespmem:s20], [sflag:$0x2] =	stream.linear.gather @!p1 [hbm4b:s17+s19], $0x80, $0x38;
	[tilespmem:$0x16080] =	vst v63  }
0x24: {  	p2 =	sne.s32 s16, $0x9D0;
	p0 =	por p1, p1;
	_ =	swait.ge @!p1 [sflag:s22], $0x80  }
0x25: {  	s19 =	simm.s32 @!p0 $0xA080;
	[sflag:s22] =	ssyncset.done @!p0 $0x0  }
0x26: {  	s18 =	simm.s32 @!p0 $0x40;
	s23 =	simm.s32 @!p0 $0x80;
	[sflag:s22] =	ssyncadd.s32 @!p0 $0xFFFFFF80  }
0x27: {  	[tilespmem:s19], [sflag:$0x2] =	stream.strided.gather @!p0 [hbm4b:s15+s18], $0x2000, s23, s18, $0x38;
	[tilespmem:$0x16080] =	vst v63  }
.Ltmp0:
0x28: {  	_ =	swait.ge @!p0 [sflag:s22], $0x2000;
	(pc) =	sbr.rel @p2 .LBB2_2-.Ltmp0, $4  }
0x29: {  	s15 =	sadd.s32 $0x8000, s15;
	[sflag:s22] =	ssyncset.done @!p0 $0x0  }
0x2a: {  	s21 =	sadd.s32 s21, s1;
	s18 =	simm.s32 @!p0 $0x1;
	[sflag:s22] =	ssyncadd.s32 @!p0 $0xFFFFE000  }
0x2b: {  	[spmem:s3] =	stream.indirect.scatter.add.f32 @!p0 [tilespmem:s19], [sflag:$0x1], $0x40, s20, s23, $0xb8;
	[tilespmem:$0x16080] =	vst v63  }
0x2c: {  	s17 =	sadd.s32 $0x200, s17;
	p1 =	sgt.u32 s21, $0x9C3;
	_ =	swait.ge @!p0 [sflag:s18], $0x2000  }
0x2d: {  	s16 =	simm.s32 @!p1 $0x0;
	[sflag:s18] =	ssyncset.done @!p0 $0x0  }
0x2e: {  	s19 =	simm.s32 @!p1 $0xA000;
	s20 =	simm.s32 @!p1 $0x2;
	[sflag:s18] =	ssyncadd.s32 @!p0 $0xFFFFE000  }
0x2f: {  	[tilespmem:s19], [sflag:$0x2] =	stream.linear.gather @!p1 [hbm4b:s17+s16], $0x80, $0x38;
	[tilespmem:$0x16080] =	vst v63  }
0x30: {  	p0 =	por p1, p1;
	_ =	swait.ge @!p1 [sflag:s20], $0x80  }
0x31: {  	s16 =	simm.s32 @!p0 $0xA080;
	[sflag:s20] =	ssyncset.done @!p0 $0x0  }
0x32: {  	s17 =	simm.s32 @!p0 $0x40;
	s18 =	simm.s32 @!p0 $0x80;
	[sflag:s20] =	ssyncadd.s32 @!p0 $0xFFFFFF80  }
0x33: {  	[tilespmem:s16], [sflag:$0x2] =	stream.strided.gather @!p0 [hbm4b:s15+s17], $0x2000, s18, s17, $0x38;
	[tilespmem:$0x16080] =	vst v63  }
0x34: {  	_ =	swait.ge @!p0 [sflag:s20], $0x2000  }
0x35: {  	[sflag:s20] =	ssyncset.done @!p0 $0x0  }
0x36: {  	s15 =	simm.s32 @!p0 $0x1;
	[sflag:s20] =	ssyncadd.s32 @!p0 $0xFFFFE000  }
0x37: {  	[spmem:s3] =	stream.indirect.scatter.add.f32 @!p0 [tilespmem:s16], [sflag:$0x1], $0x40, s19, s18, $0xb8;
	[tilespmem:$0x16080] =	vst v63  }
0x38: {  	_ =	swait.ge @!p0 [sflag:s15], $0x2000  }
0x39: {  	[sflag:s15] =	ssyncset.done @!p0 $0x0  }
0x3a: {  	[sflag:s15] =	ssyncadd.s32 @!p0 $0xFFFFE000  }
0x3b: {  	[bflag:$0x0] =	sbarrier.arrive $0xFFFF  }
0x3c: {  	[tilespmem:s13], [sflag:$0x1] =	stream.linear.gather [spmem:s5], $0xA000, $0x38;
	[tilespmem:$0x16080] =	vst v63  }
0x3d: {  	s14 =	sadd.s32 $0x1, s14;
	_ =	swait.ge [sflag:s12], $0xA000  }
0x3e: {  	p0 =	sne.s32 s14, s8;
	[sflag:s12] =	ssyncset.done $0x0  }
.Ltmp1:
0x3f: {  	[sflag:s12] =	ssyncadd.s32 $0xFFFF6000;
	(pc) =	sbr.rel @p0 .LBB2_1-.Ltmp1, $4  }
0x40: {  	[hbm4b:s7+s4] =	stream.linear.scatter [tilespmem:s13], [sflag:$0x1], $0xA000, $0x38;
	[tilespmem:$0x16080] =	vst v63  }
0x41: {  	_ =	swait.ge [sflag:s12], $0xA000  }
0x42: {  	[sflag:s12] =	ssyncset.done $0x0  }
0x43: {  	[sflag:s12] =	ssyncadd.s32 $0xFFFF6000  }
0x44: {  	_ =	sfence.sel $0x180000  }
0x45: {  	[bflag:$0x0] =	sbarrier.arrive $0xFFFF  }
0x46: {  	p0 =	sne.s32 s1, $0x0;
	_ =	strace $0x9000004A  }
0x47: {  	s0 =	sadd.s32 @!p0 $0x100000, s0;
	[bflag:$0x2] =	sbarrier.arrive $0xFFFF  }
0x48: {  	[sflag:s0] =	ssyncadd.tile.s32 @!p0 $0x1;
	_ =	shalt  }
.Lfunc_end2:
_tile_overlayer_lowered:
.L_overlay_start_2:
0x49: {  	(tag) =	ssettag $0x2  }
0x4a: {  	s0 =	rddreg [dreg:$0x0];
	s2 =	stileid.u32  }
0x4b: {  	s1 =	rddreg [dreg:$0x1];
	p0 =	sne.s32 s2, $0x0  }
0x4c: {  	s3 =	rddreg [dreg:$0x2];
	[bflag:$0x3] =	sbarrier.arrive $0xFFFF;
	s2 =	simm.s32 @!p0 $0x1C01  }
0x4d: {  	[timem:s3], [sflag:s2] =	dma.local @!p0 [hbm:s0], s1  }
0x4e: {  	s0 =	simm.s32 @!p0 $0x1  }
0x4f: {  	_ =	swait.ge @!p0 [sflag:s0], s1  }
0x50: {  	s1 =	ssub.s32 @!p0 $0x0, s1;
	[sflag:s0] =	ssyncset.done @!p0 $0x0  }
0x51: {  	[sflag:s0] =	ssyncadd.s32 @!p0 s1  }
0x52: {  	[bflag:$0x3] =	sbarrier.arrive $0xFFFF  }
0x53: {  	_ =	shalt  }

</sc_bundles>
